<compile_context>
chip_gen: v7x
topology: tpu7x:2x2x1
jax: 0.10.2.dev20260603
libtpu: 0.0.44.dev20260713+nightly
codegen_flags: <defaults>
</compile_context>

<pallas_src>
import functools

import jax
import jax.numpy as jnp
from jax import lax
from jax.experimental import pallas as pl
from jax.experimental.pallas import tpu as pltpu
from jax.experimental.pallas import tpu_sc as plsc

NUM_CORES = 2
NUM_SUBCORES = 16
NUM_WORKERS = NUM_CORES * NUM_SUBCORES
VEC = 16


def kernel(x, pos_embedding, start_pos):
    batch, seq_len, d_model = x.shape
    sp = jnp.full((16,), start_pos, dtype=jnp.int32)

    rows_per_worker = seq_len // NUM_WORKERS
    chunk = min(8, rows_per_worker)
    n_chunks = rows_per_worker // chunk
    n_slots = 2 * batch
    n_iters = (n_chunks * batch) // n_slots
    vecs_per_row = d_model // VEC
    n_vecs = chunk * vecs_per_row
    chunk_mask = chunk - 1
    row_shift = vecs_per_row.bit_length() - 1
    batch_shift = batch.bit_length() - 1

    mesh = plsc.VectorSubcoreMesh(
        core_axis_name="c", subcore_axis_name="s",
        num_cores=NUM_CORES, num_subcores=NUM_SUBCORES)

    @functools.partial(
        pl.kernel,
        out_type=jax.ShapeDtypeStruct((batch, seq_len, d_model),
                                      jnp.float32),
        mesh=mesh,
        scratch_types=[
            pltpu.VMEM((16,), jnp.int32),
            [pltpu.VMEM((chunk, d_model), jnp.float32)] * 2,
            [pltpu.VMEM((chunk, d_model), jnp.float32)] * n_slots,
            [pltpu.SemaphoreType.DMA] * 2,
            [pltpu.SemaphoreType.DMA] * n_slots,
            [pltpu.SemaphoreType.DMA] * n_slots,
        ],
        compiler_params=pltpu.CompilerParams(use_tc_tiling_on_sc=True),
    )
    def run(x_hbm, pos_hbm, sp_hbm, out_hbm, sp_vmem, posbufs, xbufs,
            pos_sems, ld_sems, st_sems):
        cid = lax.axis_index("c")
        sid = lax.axis_index("s")
        wid = sid * NUM_CORES + cid
        pltpu.sync_copy(sp_hbm, sp_vmem)
        s0 = sp_vmem[...][0]
        base = wid * rows_per_worker

        def rows_of(c):
            return pl.multiple_of(base + c * chunk, chunk)

        def issue_pos(c, slot):
            prow = pl.multiple_of(s0 + rows_of(c), 8)
            pltpu.async_copy(pos_hbm.at[pl.ds(prow, chunk)],
                             posbufs[slot], pos_sems[slot])

        def issue_ld(t, b, slot):
            c = lax.shift_right_logical(t, batch_shift)
            pltpu.async_copy(
                x_hbm.at[b, pl.ds(rows_of(c), chunk)],
                xbufs[slot], ld_sems[slot])

        def drain_ld(slot):
            pltpu.make_async_copy(
                x_hbm.at[0, pl.ds(0, chunk)],
                xbufs[slot], ld_sems[slot]).wait()

        def drain_st(slot):
            pltpu.make_async_copy(
                xbufs[slot], out_hbm.at[0, pl.ds(0, chunk)],
                st_sems[slot]).wait()

        def drain_pos(slot):
            pltpu.make_async_copy(
                pos_hbm.at[pl.ds(0, chunk)], posbufs[slot],
                pos_sems[slot]).wait()

        issue_pos(0, 0)
        issue_pos(1, 1)
        for b in range(batch):
            issue_ld(b, b, b)

        half = n_slots // 2

        def iteration(k, _):
            for j in range(n_slots):
                t = k * n_slots + j
                b = j % batch
                pslot = (j >= half) * 1
                if j % half == 0:
                    drain_pos(pslot)
                refill = (j + half) % n_slots
                if j < half:

                    @pl.when(k >= 1)
                    def _():
                        drain_st(refill)

                    issue_ld(t + half, b, refill)
                else:
                    drain_st(refill)

                    @pl.when(k < n_iters - 1)
                    def _():
                        issue_ld(t + half, b, refill)

                drain_ld(j)
                xbuf, posbuf = xbufs[j], posbufs[pslot]

                @plsc.parallel_loop(0, n_vecs, 1, unroll=8)
                def body(i):
                    r = lax.bitwise_and(
                        lax.shift_right_logical(i, row_shift), chunk_mask)
                    col = lax.mul(lax.bitwise_and(i, vecs_per_row - 1),
                                  VEC)
                    xbuf[r, pl.ds(col, VEC)] = (
                        xbuf[r, pl.ds(col, VEC)]
                        + posbuf[r, pl.ds(col, VEC)])

                c = lax.shift_right_logical(t, batch_shift)
                pltpu.async_copy(
                    xbufs[j], out_hbm.at[b, pl.ds(rows_of(c), chunk)],
                    st_sems[j])
                if j % half == half - 1:

                    @pl.when(c + 2 < n_chunks)
                    def _():
                        issue_pos(c + 2, pslot)

            return 0

        lax.fori_loop(0, n_iters, iteration, 0)
        for s in range(half, n_slots):
            drain_st(s)

    return run(x, pos_embedding, sp)

# --- scband reference (transcript-rebuilt; emitter-appended) ---
"""Pipeline reference for scband-positional-encoding-773094113408 (READ-ONLY COPY).

The authoritative reference and input builder live on the scoring server;
editing this copy changes nothing except your own understanding.
"""

import jax, jax.numpy as jnp
import numpy as np

D_MODEL = 1024
MAX_SEQ_LEN = 8192

def setup_inputs(seed: int = 0) -> dict:
    key = jax.random.key(seed)
    k1, k2 = jax.random.split(key)
    x = jax.random.normal(k1, (4, 4096, D_MODEL), dtype=jnp.float32)
    pos_embedding = jax.random.normal(k2, (MAX_SEQ_LEN, D_MODEL), dtype=jnp.float32) * 0.02
    return {"x": x, "pos_embedding": pos_embedding, "start_pos": 0}

def reference(x, pos_embedding, start_pos):
    batch_size, seq_len, d_model = x.shape
    positions = start_pos + jnp.arange(seq_len)
    pos_emb = jnp.take(pos_embedding, positions, axis=0)
    return x + pos_emb

if __name__ == "__main__":
    import jax
    _d = setup_inputs()
    print(jax.jit(kernel)(*tuple(_d.values())))

</pallas_src>

<mosaic_0001>
#map = affine_map<(d0, d1) -> (0, 0, 0)>
#map1 = affine_map<(d0, d1) -> (0, 0)>
#map2 = affine_map<(d0, d1) -> (0)>
module attributes {stable_mosaic.version = 14 : i64} {
  func.func @run(%arg0: i32, %arg1: i32, %arg2: memref<4x4096x1024xf32, #tpu.memory_space<hbm>>, %arg3: memref<8192x1024xf32, #tpu.memory_space<hbm>>, %arg4: memref<16xi32, #tpu.memory_space<hbm>>, %arg5: memref<4x4096x1024xf32, #tpu.memory_space<hbm>>, %arg6: memref<16xi32, #tpu.memory_space<vmem>>, %arg7: memref<8x1024xf32, #tpu.memory_space<vmem>>, %arg8: memref<8x1024xf32, #tpu.memory_space<vmem>>, %arg9: memref<8x1024xf32, #tpu.memory_space<vmem>>, %arg10: memref<8x1024xf32, #tpu.memory_space<vmem>>, %arg11: memref<8x1024xf32, #tpu.memory_space<vmem>>, %arg12: memref<8x1024xf32, #tpu.memory_space<vmem>>, %arg13: memref<8x1024xf32, #tpu.memory_space<vmem>>, %arg14: memref<8x1024xf32, #tpu.memory_space<vmem>>, %arg15: memref<8x1024xf32, #tpu.memory_space<vmem>>, %arg16: memref<8x1024xf32, #tpu.memory_space<vmem>>, %arg17: memref<!tpu.dma_semaphore, #tpu.memory_space<semaphore_mem>>, %arg18: memref<!tpu.dma_semaphore, #tpu.memory_space<semaphore_mem>>, %arg19: memref<!tpu.dma_semaphore, #tpu.memory_space<semaphore_mem>>, %arg20: memref<!tpu.dma_semaphore, #tpu.memory_space<semaphore_mem>>, %arg21: memref<!tpu.dma_semaphore, #tpu.memory_space<semaphore_mem>>, %arg22: memref<!tpu.dma_semaphore, #tpu.memory_space<semaphore_mem>>, %arg23: memref<!tpu.dma_semaphore, #tpu.memory_space<semaphore_mem>>, %arg24: memref<!tpu.dma_semaphore, #tpu.memory_space<semaphore_mem>>, %arg25: memref<!tpu.dma_semaphore, #tpu.memory_space<semaphore_mem>>, %arg26: memref<!tpu.dma_semaphore, #tpu.memory_space<semaphore_mem>>, %arg27: memref<!tpu.dma_semaphore, #tpu.memory_space<semaphore_mem>>, %arg28: memref<!tpu.dma_semaphore, #tpu.memory_space<semaphore_mem>>, %arg29: memref<!tpu.dma_semaphore, #tpu.memory_space<semaphore_mem>>, %arg30: memref<!tpu.dma_semaphore, #tpu.memory_space<semaphore_mem>>, %arg31: memref<!tpu.dma_semaphore, #tpu.memory_space<semaphore_mem>>, %arg32: memref<!tpu.dma_semaphore, #tpu.memory_space<semaphore_mem>>, %arg33: memref<!tpu.dma_semaphore, #tpu.memory_space<semaphore_mem>>, %arg34: memref<!tpu.dma_semaphore, #tpu.memory_space<semaphore_mem>>) attributes {dimension_semantics = [#tpu.dimension_semantics<core_parallel>, #tpu.dimension_semantics<subcore_parallel>], iteration_bounds = array<i64: 2, 16>, scalar_prefetch = 0 : i64, scratch_operands = 29 : i64, tpu.core_type = #tpu.core_type<sc_vector_subcore>, window_params = [{transform_indices = #map}, {transform_indices = #map1}, {transform_indices = #map2}, {transform_indices = #map}]} {
    %mul3A = arith.constant 2 : i32
    %mul3A_0 = arith.muli %arg1, %mul3A : i32
    %add3A = arith.addi %mul3A_0, %arg0 : i32
    "tpu.region"() ({
      %run_scoped3A = tpu.sem_alloc : memref<!tpu.dma_semaphore, #tpu.memory_space<semaphore_mem>>
      tpu.enqueue_dma source(%arg4 : memref<16xi32, #tpu.memory_space<hbm>>) target(%arg6 : memref<16xi32, #tpu.memory_space<vmem>>) target_semaphore(%run_scoped3A : memref<!tpu.dma_semaphore, #tpu.memory_space<semaphore_mem>>)
      tpu.wait_dma2 semaphore(%run_scoped3A : memref<!tpu.dma_semaphore, #tpu.memory_space<semaphore_mem>>) src(%arg4 : memref<16xi32, #tpu.memory_space<hbm>>) dst(%arg6 : memref<16xi32, #tpu.memory_space<vmem>>)
      tpu.yield
    }) : () -> ()
    %get3A = arith.constant 0 : index
    %get3A_1 = tpu.vector_load %arg6[%get3A] {strides = array<i32>} : memref<16xi32, #tpu.memory_space<vmem>>, vector<16xi32>,
    %get3A_2 = vector.shape_cast %get3A_1 : vector<16xi32> to vector<16xi32>
    %slice3A = vector.extract_strided_slice %get3A_2 {offsets = [0], sizes = [1], strides = [1]} : vector<16xi32> to vector<1xi32>
    %squeeze3A = vector.extract %slice3A[0] : i32 from vector<1xi32>
    %mul3A_3 = arith.constant 128 : i32
    %mul3A_4 = arith.muli %add3A, %mul3A_3 : i32
    %add3A_5 = arith.constant 0 : i32
    %add3A_6 = arith.addi %mul3A_4, %add3A_5 : i32
    %multiple_of3A = tpu.assume_multiple %add3A_6, 8 : i32
    %add3A_7 = arith.addi %squeeze3A, %multiple_of3A : i32
    %multiple_of3A_8 = tpu.assume_multiple %add3A_7, 8 : i32
    %dma_start3A = arith.constant 0 : i32
    %dma_start3A_9 = tpu.memref_slice %arg3[%multiple_of3A_8, %dma_start3A] : memref<8192x1024xf32, #tpu.memory_space<hbm>> -> memref<8x1024xf32, #tpu.memory_space<hbm>>
    %dma_start3A_10 = arith.constant 0 : i32
    %dma_start3A_11 = tpu.memref_slice %arg3[%multiple_of3A_8, %dma_start3A_10] : memref<8192x1024xf32, #tpu.memory_space<hbm>> -> memref<8x1024xf32, #tpu.memory_space<hbm>>
    tpu.enqueue_dma source(%dma_start3A_11 : memref<8x1024xf32, #tpu.memory_space<hbm>>) target(%arg7 : memref<8x1024xf32, #tpu.memory_space<vmem>>) target_semaphore(%arg17 : memref<!tpu.dma_semaphore, #tpu.memory_space<semaphore_mem>>)
    %add3A_12 = arith.constant 8 : i32
    %add3A_13 = arith.addi %mul3A_4, %add3A_12 : i32
    %multiple_of3A_14 = tpu.assume_multiple %add3A_13, 8 : i32
    %add3A_15 = arith.addi %squeeze3A, %multiple_of3A_14 : i32
    %multiple_of3A_16 = tpu.assume_multiple %add3A_15, 8 : i32
    %dma_start3A_17 = arith.constant 0 : i32
    %dma_start3A_18 = tpu.memref_slice %arg3[%multiple_of3A_16, %dma_start3A_17] : memref<8192x1024xf32, #tpu.memory_space<hbm>> -> memref<8x1024xf32, #tpu.memory_space<hbm>>
    %dma_start3A_19 = arith.constant 0 : i32
    %dma_start3A_20 = tpu.memref_slice %arg3[%multiple_of3A_16, %dma_start3A_19] : memref<8192x1024xf32, #tpu.memory_space<hbm>> -> memref<8x1024xf32, #tpu.memory_space<hbm>>
    tpu.enqueue_dma source(%dma_start3A_20 : memref<8x1024xf32, #tpu.memory_space<hbm>>) target(%arg8 : memref<8x1024xf32, #tpu.memory_space<vmem>>) target_semaphore(%arg18 : memref<!tpu.dma_semaphore, #tpu.memory_space<semaphore_mem>>)
    %shift_right_logical3A = arith.constant 0 : i32
    %shift_right_logical3A_21 = arith.constant 2 : i32
    %shift_right_logical3A_22 = arith.shrui %shift_right_logical3A, %shift_right_logical3A_21 : i32
    %mul3A_23 = arith.constant 8 : i32
    %mul3A_24 = arith.muli %shift_right_logical3A_22, %mul3A_23 : i32
    %add3A_25 = arith.addi %mul3A_4, %mul3A_24 : i32
    %multiple_of3A_26 = tpu.assume_multiple %add3A_25, 8 : i32
    %dma_start3A_27 = arith.constant 0 : i32
    %dma_start3A_28 = arith.constant 0 : i32
    %dma_start3A_29 = tpu.memref_slice %arg2[%dma_start3A_27, %multiple_of3A_26, %dma_start3A_28] : memref<4x4096x1024xf32, #tpu.memory_space<hbm>> -> memref<1x8x1024xf32, #tpu.memory_space<hbm>>
    %dma_start3A_30 = tpu.memref_squeeze %dma_start3A_29 : memref<1x8x1024xf32, #tpu.memory_space<hbm>> -> memref<8x1024xf32, #tpu.memory_space<hbm>>
    %dma_start3A_31 = arith.constant 0 : i32
    %dma_start3A_32 = tpu.memref_slice %arg2[%dma_start3A_27, %multiple_of3A_26, %dma_start3A_31] : memref<4x4096x1024xf32, #tpu.memory_space<hbm>> -> memref<1x8x1024xf32, #tpu.memory_space<hbm>>
    %dma_start3A_33 = tpu.memref_squeeze %dma_start3A_32 : memref<1x8x1024xf32, #tpu.memory_space<hbm>> -> memref<8x1024xf32, #tpu.memory_space<hbm>>
    tpu.enqueue_dma source(%dma_start3A_33 : memref<8x1024xf32, #tpu.memory_space<hbm>>) target(%arg9 : memref<8x1024xf32, #tpu.memory_space<vmem>>) target_semaphore(%arg19 : memref<!tpu.dma_semaphore, #tpu.memory_space<semaphore_mem>>)
    %shift_right_logical3A_34 = arith.constant 1 : i32
    %shift_right_logical3A_35 = arith.constant 2 : i32
    %shift_right_logical3A_36 = arith.shrui %shift_right_logical3A_34, %shift_right_logical3A_35 : i32
    %mul3A_37 = arith.constant 8 : i32
    %mul3A_38 = arith.muli %shift_right_logical3A_36, %mul3A_37 : i32
    %add3A_39 = arith.addi %mul3A_4, %mul3A_38 : i32
    %multiple_of3A_40 = tpu.assume_multiple %add3A_39, 8 : i32
    %dma_start3A_41 = arith.constant 1 : i32
    %dma_start3A_42 = arith.constant 0 : i32
    %dma_start3A_43 = tpu.memref_slice %arg2[%dma_start3A_41, %multiple_of3A_40, %dma_start3A_42] : memref<4x4096x1024xf32, #tpu.memory_space<hbm>> -> memref<1x8x1024xf32, #tpu.memory_space<hbm>>
    %dma_start3A_44 = tpu.memref_squeeze %dma_start3A_43 : memref<1x8x1024xf32, #tpu.memory_space<hbm>> -> memref<8x1024xf32, #tpu.memory_space<hbm>>
    %dma_start3A_45 = arith.constant 0 : i32
    %dma_start3A_46 = tpu.memref_slice %arg2[%dma_start3A_41, %multiple_of3A_40, %dma_start3A_45] : memref<4x4096x1024xf32, #tpu.memory_space<hbm>> -> memref<1x8x1024xf32, #tpu.memory_space<hbm>>
    %dma_start3A_47 = tpu.memref_squeeze %dma_start3A_46 : memref<1x8x1024xf32, #tpu.memory_space<hbm>> -> memref<8x1024xf32, #tpu.memory_space<hbm>>
    tpu.enqueue_dma source(%dma_start3A_47 : memref<8x1024xf32, #tpu.memory_space<hbm>>) target(%arg10 : memref<8x1024xf32, #tpu.memory_space<vmem>>) target_semaphore(%arg20 : memref<!tpu.dma_semaphore, #tpu.memory_space<semaphore_mem>>)
    %shift_right_logical3A_48 = arith.constant 2 : i32
    %shift_right_logical3A_49 = arith.constant 2 : i32
    %shift_right_logical3A_50 = arith.shrui %shift_right_logical3A_48, %shift_right_logical3A_49 : i32
    %mul3A_51 = arith.constant 8 : i32
    %mul3A_52 = arith.muli %shift_right_logical3A_50, %mul3A_51 : i32
    %add3A_53 = arith.addi %mul3A_4, %mul3A_52 : i32
    %multiple_of3A_54 = tpu.assume_multiple %add3A_53, 8 : i32
    %dma_start3A_55 = arith.constant 2 : i32
    %dma_start3A_56 = arith.constant 0 : i32
    %dma_start3A_57 = tpu.memref_slice %arg2[%dma_start3A_55, %multiple_of3A_54, %dma_start3A_56] : memref<4x4096x1024xf32, #tpu.memory_space<hbm>> -> memref<1x8x1024xf32, #tpu.memory_space<hbm>>
    %dma_start3A_58 = tpu.memref_squeeze %dma_start3A_57 : memref<1x8x1024xf32, #tpu.memory_space<hbm>> -> memref<8x1024xf32, #tpu.memory_space<hbm>>
    %dma_start3A_59 = arith.constant 0 : i32
    %dma_start3A_60 = tpu.memref_slice %arg2[%dma_start3A_55, %multiple_of3A_54, %dma_start3A_59] : memref<4x4096x1024xf32, #tpu.memory_space<hbm>> -> memref<1x8x1024xf32, #tpu.memory_space<hbm>>
    %dma_start3A_61 = tpu.memref_squeeze %dma_start3A_60 : memref<1x8x1024xf32, #tpu.memory_space<hbm>> -> memref<8x1024xf32, #tpu.memory_space<hbm>>
    tpu.enqueue_dma source(%dma_start3A_61 : memref<8x1024xf32, #tpu.memory_space<hbm>>) target(%arg11 : memref<8x1024xf32, #tpu.memory_space<vmem>>) target_semaphore(%arg21 : memref<!tpu.dma_semaphore, #tpu.memory_space<semaphore_mem>>)
    %shift_right_logical3A_62 = arith.constant 3 : i32
    %shift_right_logical3A_63 = arith.constant 2 : i32
    %shift_right_logical3A_64 = arith.shrui %shift_right_logical3A_62, %shift_right_logical3A_63 : i32
    %mul3A_65 = arith.constant 8 : i32
    %mul3A_66 = arith.muli %shift_right_logical3A_64, %mul3A_65 : i32
    %add3A_67 = arith.addi %mul3A_4, %mul3A_66 : i32
    %multiple_of3A_68 = tpu.assume_multiple %add3A_67, 8 : i32
    %dma_start3A_69 = arith.constant 3 : i32
    %dma_start3A_70 = arith.constant 0 : i32
    %dma_start3A_71 = tpu.memref_slice %arg2[%dma_start3A_69, %multiple_of3A_68, %dma_start3A_70] : memref<4x4096x1024xf32, #tpu.memory_space<hbm>> -> memref<1x8x1024xf32, #tpu.memory_space<hbm>>
    %dma_start3A_72 = tpu.memref_squeeze %dma_start3A_71 : memref<1x8x1024xf32, #tpu.memory_space<hbm>> -> memref<8x1024xf32, #tpu.memory_space<hbm>>
    %dma_start3A_73 = arith.constant 0 : i32
    %dma_start3A_74 = tpu.memref_slice %arg2[%dma_start3A_69, %multiple_of3A_68, %dma_start3A_73] : memref<4x4096x1024xf32, #tpu.memory_space<hbm>> -> memref<1x8x1024xf32, #tpu.memory_space<hbm>>
    %dma_start3A_75 = tpu.memref_squeeze %dma_start3A_74 : memref<1x8x1024xf32, #tpu.memory_space<hbm>> -> memref<8x1024xf32, #tpu.memory_space<hbm>>
    tpu.enqueue_dma source(%dma_start3A_75 : memref<8x1024xf32, #tpu.memory_space<hbm>>) target(%arg12 : memref<8x1024xf32, #tpu.memory_space<vmem>>) target_semaphore(%arg22 : memref<!tpu.dma_semaphore, #tpu.memory_space<semaphore_mem>>)
    %scan3A = arith.constant 0 : i32
    %scan3A_76 = arith.constant 0 : i32
    %scan3A_77 = arith.constant 8 : i32
    %scan3A_78 = arith.addi %scan3A_76, %scan3A_77 : i32
    %scan3A_79 = arith.constant 1 : i32
    %scan3A_80 = scf.for %scan3A_117 = %scan3A_76 to %scan3A_78 step %scan3A_79 iter_args(%scan3A_118 = %scan3A) -> (i32)  : i32 {
      %mul3A_119 = arith.constant 8 : i32
      %mul3A_120 = arith.muli %scan3A_117, %mul3A_119 : i32
      %add3A_121 = arith.constant 0 : i32
      %add3A_122 = arith.addi %mul3A_120, %add3A_121 : i32
      %dma_wait3A_123 = arith.constant 0 : i32
      %dma_wait3A_124 = arith.constant 0 : i32
      %dma_wait3A_125 = tpu.memref_slice %arg3[%dma_wait3A_123, %dma_wait3A_124] : memref<8192x1024xf32, #tpu.memory_space<hbm>> -> memref<8x1024xf32, #tpu.memory_space<hbm>>
      %dma_wait3A_126 = arith.constant 0 : i32
      %dma_wait3A_127 = arith.constant 0 : i32
      %dma_wait3A_128 = tpu.memref_slice %arg3[%dma_wait3A_126, %dma_wait3A_127] : memref<8192x1024xf32, #tpu.memory_space<hbm>> -> memref<8x1024xf32, #tpu.memory_space<hbm>>
      tpu.wait_dma2 semaphore(%arg17 : memref<!tpu.dma_semaphore, #tpu.memory_space<semaphore_mem>>) src(%dma_wait3A_128 : memref<8x1024xf32, #tpu.memory_space<hbm>>) dst(%arg7 : memref<8x1024xf32, #tpu.memory_space<vmem>>)
      %ge3A = arith.constant 1 : i32
      %ge3A_129 = arith.cmpi sge, %scan3A_117, %ge3A : i32
      %convert_element_type3A = arith.extui %ge3A_129 : i1 to i32
      %cond3A = arith.constant 0 : i32
      %cond3A_130 = arith.cmpi ne, %convert_element_type3A, %cond3A : i32
      scf.if %cond3A_130 {
        %dma_wait3A_509 = arith.constant 0 : i32
        %dma_wait3A_510 = arith.constant 0 : i32
        %dma_wait3A_511 = arith.constant 0 : i32
        %dma_wait3A_512 = tpu.memref_slice %arg5[%dma_wait3A_509, %dma_wait3A_510, %dma_wait3A_511] : memref<4x4096x1024xf32, #tpu.memory_space<hbm>> -> memref<1x8x1024xf32, #tpu.memory_space<hbm>>
        %dma_wait3A_513 = tpu.memref_squeeze %dma_wait3A_512 : memref<1x8x1024xf32, #tpu.memory_space<hbm>> -> memref<8x1024xf32, #tpu.memory_space<hbm>>
        %dma_wait3A_514 = arith.constant 0 : i32
        %dma_wait3A_515 = arith.constant 0 : i32
        %dma_wait3A_516 = tpu.memref_slice %arg5[%dma_wait3A_509, %dma_wait3A_514, %dma_wait3A_515] : memref<4x4096x1024xf32, #tpu.memory_space<hbm>> -> memref<1x8x1024xf32, #tpu.memory_space<hbm>>
        %dma_wait3A_517 = tpu.memref_squeeze %dma_wait3A_516 : memref<1x8x1024xf32, #tpu.memory_space<hbm>> -> memref<8x1024xf32, #tpu.memory_space<hbm>>
        tpu.wait_dma2 semaphore(%arg31 : memref<!tpu.dma_semaphore, #tpu.memory_space<semaphore_mem>>) src(%arg13 : memref<8x1024xf32, #tpu.memory_space<vmem>>) dst(%dma_wait3A_517 : memref<8x1024xf32, #tpu.memory_space<hbm>>)
      } else {
      }
      %add3A_131 = arith.constant 4 : i32
      %add3A_132 = arith.addi %add3A_122, %add3A_131 : i32
      %shift_right_logical3A_133 = arith.constant 2 : i32
      %shift_right_logical3A_134 = arith.shrui %add3A_132, %shift_right_logical3A_133 : i32
      %mul3A_135 = arith.constant 8 : i32
      %mul3A_136 = arith.muli %shift_right_logical3A_134, %mul3A_135 : i32
      %add3A_137 = arith.addi %mul3A_4, %mul3A_136 : i32
      %multiple_of3A_138 = tpu.assume_multiple %add3A_137, 8 : i32
      %dma_start3A_139 = arith.constant 0 : i32
      %dma_start3A_140 = arith.constant 0 : i32
      %dma_start3A_141 = tpu.memref_slice %arg2[%dma_start3A_139, %multiple_of3A_138, %dma_start3A_140] : memref<4x4096x1024xf32, #tpu.memory_space<hbm>> -> memref<1x8x1024xf32, #tpu.memory_space<hbm>>
      %dma_start3A_142 = tpu.memref_squeeze %dma_start3A_141 : memref<1x8x1024xf32, #tpu.memory_space<hbm>> -> memref<8x1024xf32, #tpu.memory_space<hbm>>
      %dma_start3A_143 = arith.constant 0 : i32
      %dma_start3A_144 = tpu.memref_slice %arg2[%dma_start3A_139, %multiple_of3A_138, %dma_start3A_143] : memref<4x4096x1024xf32, #tpu.memory_space<hbm>> -> memref<1x8x1024xf32, #tpu.memory_space<hbm>>
      %dma_start3A_145 = tpu.memref_squeeze %dma_start3A_144 : memref<1x8x1024xf32, #tpu.memory_space<hbm>> -> memref<8x1024xf32, #tpu.memory_space<hbm>>
      tpu.enqueue_dma source(%dma_start3A_145 : memref<8x1024xf32, #tpu.memory_space<hbm>>) target(%arg13 : memref<8x1024xf32, #tpu.memory_space<vmem>>) target_semaphore(%arg23 : memref<!tpu.dma_semaphore, #tpu.memory_space<semaphore_mem>>)
      %dma_wait3A_146 = arith.constant 0 : i32
      %dma_wait3A_147 = arith.constant 0 : i32
      %dma_wait3A_148 = arith.constant 0 : i32
      %dma_wait3A_149 = tpu.memref_slice %arg2[%dma_wait3A_146, %dma_wait3A_147, %dma_wait3A_148] : memref<4x4096x1024xf32, #tpu.memory_space<hbm>> -> memref<1x8x1024xf32, #tpu.memory_space<hbm>>
      %dma_wait3A_150 = tpu.memref_squeeze %dma_wait3A_149 : memref<1x8x1024xf32, #tpu.memory_space<hbm>> -> memref<8x1024xf32, #tpu.memory_space<hbm>>
      %dma_wait3A_151 = arith.constant 0 : i32
      %dma_wait3A_152 = arith.constant 0 : i32
      %dma_wait3A_153 = tpu.memref_slice %arg2[%dma_wait3A_146, %dma_wait3A_151, %dma_wait3A_152] : memref<4x4096x1024xf32, #tpu.memory_space<hbm>> -> memref<1x8x1024xf32, #tpu.memory_space<hbm>>
      %dma_wait3A_154 = tpu.memref_squeeze %dma_wait3A_153 : memref<1x8x1024xf32, #tpu.memory_space<hbm>> -> memref<8x1024xf32, #tpu.memory_space<hbm>>
      tpu.wait_dma2 semaphore(%arg19 : memref<!tpu.dma_semaphore, #tpu.memory_space<semaphore_mem>>) src(%dma_wait3A_154 : memref<8x1024xf32, #tpu.memory_space<hbm>>) dst(%arg9 : memref<8x1024xf32, #tpu.memory_space<vmem>>)
      %parallel_loop3A = arith.constant 0 : i32
      %parallel_loop3A_155 = arith.constant 512 : i32
      %parallel_loop3A_156 = arith.constant 1 : i32
      scf.for %parallel_loop3A_509 = %parallel_loop3A to %parallel_loop3A_155 step %parallel_loop3A_156  : i32 {
        %parallel_loop3A_510 = arith.constant 6 : i32
        %parallel_loop3A_511 = arith.shrui %parallel_loop3A_509, %parallel_loop3A_510 : i32
        %parallel_loop3A_512 = arith.constant 7 : i32
        %parallel_loop3A_513 = arith.andi %parallel_loop3A_511, %parallel_loop3A_512 : i32
        %parallel_loop3A_514 = arith.constant 63 : i32
        %parallel_loop3A_515 = arith.andi %parallel_loop3A_509, %parallel_loop3A_514 : i32
        %parallel_loop3A_516 = arith.constant 16 : i32
        %parallel_loop3A_517 = arith.muli %parallel_loop3A_515, %parallel_loop3A_516 : i32
        %parallel_loop3A_518 = arith.index_cast %parallel_loop3A_513 : i32 to index
        %parallel_loop3A_519 = arith.index_cast %parallel_loop3A_517 : i32 to index
        %parallel_loop3A_520 = tpu.vector_load %arg9[%parallel_loop3A_518, %parallel_loop3A_519] {strides = array<i32>} : memref<8x1024xf32, #tpu.memory_space<vmem>>, vector<1x16xf32>,
        %parallel_loop3A_521 = vector.shape_cast %parallel_loop3A_520 : vector<1x16xf32> to vector<16xf32>
        %parallel_loop3A_522 = arith.index_cast %parallel_loop3A_513 : i32 to index
        %parallel_loop3A_523 = arith.index_cast %parallel_loop3A_517 : i32 to index
        %parallel_loop3A_524 = tpu.vector_load %arg7[%parallel_loop3A_522, %parallel_loop3A_523] {strides = array<i32>} : memref<8x1024xf32, #tpu.memory_space<vmem>>, vector<1x16xf32>,
        %parallel_loop3A_525 = vector.shape_cast %parallel_loop3A_524 : vector<1x16xf32> to vector<16xf32>
        %parallel_loop3A_526 = arith.addf %parallel_loop3A_521, %parallel_loop3A_525 : vector<16xf32>
        %parallel_loop3A_527 = arith.index_cast %parallel_loop3A_513 : i32 to index
        %parallel_loop3A_528 = arith.index_cast %parallel_loop3A_517 : i32 to index
        %parallel_loop3A_529 = tpu.vector_load %arg9[%parallel_loop3A_527, %parallel_loop3A_528] {strides = array<i32>} : memref<8x1024xf32, #tpu.memory_space<vmem>>, vector<1x16xf32>,
        %parallel_loop3A_530 = vector.shape_cast %parallel_loop3A_529 : vector<1x16xf32> to vector<16xf32>
        %parallel_loop3A_531 = vector.shape_cast %parallel_loop3A_526 : vector<16xf32> to vector<1x16xf32>
        tpu.vector_store %arg9[%parallel_loop3A_527, %parallel_loop3A_528], %parallel_loop3A_531 {strides = array<i32>} : memref<8x1024xf32, #tpu.memory_space<vmem>>, vector<1x16xf32>,
      } {sc.loop_unroll_factor = 8 : i64, sc.parallel_access}
      %shift_right_logical3A_157 = arith.constant 2 : i32
      %shift_right_logical3A_158 = arith.shrui %add3A_122, %shift_right_logical3A_157 : i32
      %mul3A_159 = arith.constant 8 : i32
      %mul3A_160 = arith.muli %shift_right_logical3A_158, %mul3A_159 : i32
      %add3A_161 = arith.addi %mul3A_4, %mul3A_160 : i32
      %multiple_of3A_162 = tpu.assume_multiple %add3A_161, 8 : i32
      %dma_start3A_163 = arith.constant 0 : i32
      %dma_start3A_164 = arith.constant 0 : i32
      %dma_start3A_165 = tpu.memref_slice %arg5[%dma_start3A_163, %multiple_of3A_162, %dma_start3A_164] : memref<4x4096x1024xf32, #tpu.memory_space<hbm>> -> memref<1x8x1024xf32, #tpu.memory_space<hbm>>
      %dma_start3A_166 = tpu.memref_squeeze %dma_start3A_165 : memref<1x8x1024xf32, #tpu.memory_space<hbm>> -> memref<8x1024xf32, #tpu.memory_space<hbm>>
      %dma_start3A_167 = arith.constant 0 : i32
      %dma_start3A_168 = tpu.memref_slice %arg5[%dma_start3A_163, %multiple_of3A_162, %dma_start3A_167] : memref<4x4096x1024xf32, #tpu.memory_space<hbm>> -> memref<1x8x1024xf32, #tpu.memory_space<hbm>>
      %dma_start3A_169 = tpu.memref_squeeze %dma_start3A_168 : memref<1x8x1024xf32, #tpu.memory_space<hbm>> -> memref<8x1024xf32, #tpu.memory_space<hbm>>
      tpu.enqueue_dma source(%arg9 : memref<8x1024xf32, #tpu.memory_space<vmem>>) target(%dma_start3A_169 : memref<8x1024xf32, #tpu.memory_space<hbm>>) target_semaphore(%arg27 : memref<!tpu.dma_semaphore, #tpu.memory_space<semaphore_mem>>)
      %mul3A_170 = arith.constant 8 : i32
      %mul3A_171 = arith.muli %scan3A_117, %mul3A_170 : i32
      %add3A_172 = arith.constant 1 : i32
      %add3A_173 = arith.addi %mul3A_171, %add3A_172 : i32
      %ge3A_174 = arith.constant 1 : i32
      %ge3A_175 = arith.cmpi sge, %scan3A_117, %ge3A_174 : i32
      %convert_element_type3A_176 = arith.extui %ge3A_175 : i1 to i32
      %cond3A_177 = arith.constant 0 : i32
      %cond3A_178 = arith.cmpi ne, %convert_element_type3A_176, %cond3A_177 : i32
      scf.if %cond3A_178 {
        %dma_wait3A_509 = arith.constant 0 : i32
        %dma_wait3A_510 = arith.constant 0 : i32
        %dma_wait3A_511 = arith.constant 0 : i32
        %dma_wait3A_512 = tpu.memref_slice %arg5[%dma_wait3A_509, %dma_wait3A_510, %dma_wait3A_511] : memref<4x4096x1024xf32, #tpu.memory_space<hbm>> -> memref<1x8x1024xf32, #tpu.memory_space<hbm>>
        %dma_wait3A_513 = tpu.memref_squeeze %dma_wait3A_512 : memref<1x8x1024xf32, #tpu.memory_space<hbm>> -> memref<8x1024xf32, #tpu.memory_space<hbm>>
        %dma_wait3A_514 = arith.constant 0 : i32
        %dma_wait3A_515 = arith.constant 0 : i32
        %dma_wait3A_516 = tpu.memref_slice %arg5[%dma_wait3A_509, %dma_wait3A_514, %dma_wait3A_515] : memref<4x4096x1024xf32, #tpu.memory_space<hbm>> -> memref<1x8x1024xf32, #tpu.memory_space<hbm>>
        %dma_wait3A_517 = tpu.memref_squeeze %dma_wait3A_516 : memref<1x8x1024xf32, #tpu.memory_space<hbm>> -> memref<8x1024xf32, #tpu.memory_space<hbm>>
        tpu.wait_dma2 semaphore(%arg32 : memref<!tpu.dma_semaphore, #tpu.memory_space<semaphore_mem>>) src(%arg14 : memref<8x1024xf32, #tpu.memory_space<vmem>>) dst(%dma_wait3A_517 : memref<8x1024xf32, #tpu.memory_space<hbm>>)
      } else {
      }
      %add3A_179 = arith.constant 4 : i32
      %add3A_180 = arith.addi %add3A_173, %add3A_179 : i32
      %shift_right_logical3A_181 = arith.constant 2 : i32
      %shift_right_logical3A_182 = arith.shrui %add3A_180, %shift_right_logical3A_181 : i32
      %mul3A_183 = arith.constant 8 : i32
      %mul3A_184 = arith.muli %shift_right_logical3A_182, %mul3A_183 : i32
      %add3A_185 = arith.addi %mul3A_4, %mul3A_184 : i32
      %multiple_of3A_186 = tpu.assume_multiple %add3A_185, 8 : i32
      %dma_start3A_187 = arith.constant 1 : i32
      %dma_start3A_188 = arith.constant 0 : i32
      %dma_start3A_189 = tpu.memref_slice %arg2[%dma_start3A_187, %multiple_of3A_186, %dma_start3A_188] : memref<4x4096x1024xf32, #tpu.memory_space<hbm>> -> memref<1x8x1024xf32, #tpu.memory_space<hbm>>
      %dma_start3A_190 = tpu.memref_squeeze %dma_start3A_189 : memref<1x8x1024xf32, #tpu.memory_space<hbm>> -> memref<8x1024xf32, #tpu.memory_space<hbm>>
      %dma_start3A_191 = arith.constant 0 : i32
      %dma_start3A_192 = tpu.memref_slice %arg2[%dma_start3A_187, %multiple_of3A_186, %dma_start3A_191] : memref<4x4096x1024xf32, #tpu.memory_space<hbm>> -> memref<1x8x1024xf32, #tpu.memory_space<hbm>>
      %dma_start3A_193 = tpu.memref_squeeze %dma_start3A_192 : memref<1x8x1024xf32, #tpu.memory_space<hbm>> -> memref<8x1024xf32, #tpu.memory_space<hbm>>
      tpu.enqueue_dma source(%dma_start3A_193 : memref<8x1024xf32, #tpu.memory_space<hbm>>) target(%arg14 : memref<8x1024xf32, #tpu.memory_space<vmem>>) target_semaphore(%arg24 : memref<!tpu.dma_semaphore, #tpu.memory_space<semaphore_mem>>)
      %dma_wait3A_194 = arith.constant 0 : i32
      %dma_wait3A_195 = arith.constant 0 : i32
      %dma_wait3A_196 = arith.constant 0 : i32
      %dma_wait3A_197 = tpu.memref_slice %arg2[%dma_wait3A_194, %dma_wait3A_195, %dma_wait3A_196] : memref<4x4096x1024xf32, #tpu.memory_space<hbm>> -> memref<1x8x1024xf32, #tpu.memory_space<hbm>>
      %dma_wait3A_198 = tpu.memref_squeeze %dma_wait3A_197 : memref<1x8x1024xf32, #tpu.memory_space<hbm>> -> memref<8x1024xf32, #tpu.memory_space<hbm>>
      %dma_wait3A_199 = arith.constant 0 : i32
      %dma_wait3A_200 = arith.constant 0 : i32
      %dma_wait3A_201 = tpu.memref_slice %arg2[%dma_wait3A_194, %dma_wait3A_199, %dma_wait3A_200] : memref<4x4096x1024xf32, #tpu.memory_space<hbm>> -> memref<1x8x1024xf32, #tpu.memory_space<hbm>>
      %dma_wait3A_202 = tpu.memref_squeeze %dma_wait3A_201 : memref<1x8x1024xf32, #tpu.memory_space<hbm>> -> memref<8x1024xf32, #tpu.memory_space<hbm>>
      tpu.wait_dma2 semaphore(%arg20 : memref<!tpu.dma_semaphore, #tpu.memory_space<semaphore_mem>>) src(%dma_wait3A_202 : memref<8x1024xf32, #tpu.memory_space<hbm>>) dst(%arg10 : memref<8x1024xf32, #tpu.memory_space<vmem>>)
      %parallel_loop3A_203 = arith.constant 0 : i32
      %parallel_loop3A_204 = arith.constant 512 : i32
      %parallel_loop3A_205 = arith.constant 1 : i32
      scf.for %parallel_loop3A_509 = %parallel_loop3A_203 to %parallel_loop3A_204 step %parallel_loop3A_205  : i32 {
        %parallel_loop3A_510 = arith.constant 6 : i32
        %parallel_loop3A_511 = arith.shrui %parallel_loop3A_509, %parallel_loop3A_510 : i32
        %parallel_loop3A_512 = arith.constant 7 : i32
        %parallel_loop3A_513 = arith.andi %parallel_loop3A_511, %parallel_loop3A_512 : i32
        %parallel_loop3A_514 = arith.constant 63 : i32
        %parallel_loop3A_515 = arith.andi %parallel_loop3A_509, %parallel_loop3A_514 : i32
        %parallel_loop3A_516 = arith.constant 16 : i32
        %parallel_loop3A_517 = arith.muli %parallel_loop3A_515, %parallel_loop3A_516 : i32
        %parallel_loop3A_518 = arith.index_cast %parallel_loop3A_513 : i32 to index
        %parallel_loop3A_519 = arith.index_cast %parallel_loop3A_517 : i32 to index
        %parallel_loop3A_520 = tpu.vector_load %arg10[%parallel_loop3A_518, %parallel_loop3A_519] {strides = array<i32>} : memref<8x1024xf32, #tpu.memory_space<vmem>>, vector<1x16xf32>,
        %parallel_loop3A_521 = vector.shape_cast %parallel_loop3A_520 : vector<1x16xf32> to vector<16xf32>
        %parallel_loop3A_522 = arith.index_cast %parallel_loop3A_513 : i32 to index
        %parallel_loop3A_523 = arith.index_cast %parallel_loop3A_517 : i32 to index
        %parallel_loop3A_524 = tpu.vector_load %arg7[%parallel_loop3A_522, %parallel_loop3A_523] {strides = array<i32>} : memref<8x1024xf32, #tpu.memory_space<vmem>>, vector<1x16xf32>,
        %parallel_loop3A_525 = vector.shape_cast %parallel_loop3A_524 : vector<1x16xf32> to vector<16xf32>
        %parallel_loop3A_526 = arith.addf %parallel_loop3A_521, %parallel_loop3A_525 : vector<16xf32>
        %parallel_loop3A_527 = arith.index_cast %parallel_loop3A_513 : i32 to index
        %parallel_loop3A_528 = arith.index_cast %parallel_loop3A_517 : i32 to index
        %parallel_loop3A_529 = tpu.vector_load %arg10[%parallel_loop3A_527, %parallel_loop3A_528] {strides = array<i32>} : memref<8x1024xf32, #tpu.memory_space<vmem>>, vector<1x16xf32>,
        %parallel_loop3A_530 = vector.shape_cast %parallel_loop3A_529 : vector<1x16xf32> to vector<16xf32>
        %parallel_loop3A_531 = vector.shape_cast %parallel_loop3A_526 : vector<16xf32> to vector<1x16xf32>
        tpu.vector_store %arg10[%parallel_loop3A_527, %parallel_loop3A_528], %parallel_loop3A_531 {strides = array<i32>} : memref<8x1024xf32, #tpu.memory_space<vmem>>, vector<1x16xf32>,
      } {sc.loop_unroll_factor = 8 : i64, sc.parallel_access}
      %shift_right_logical3A_206 = arith.constant 2 : i32
      %shift_right_logical3A_207 = arith.shrui %add3A_173, %shift_right_logical3A_206 : i32
      %mul3A_208 = arith.constant 8 : i32
      %mul3A_209 = arith.muli %shift_right_logical3A_207, %mul3A_208 : i32
      %add3A_210 = arith.addi %mul3A_4, %mul3A_209 : i32
      %multiple_of3A_211 = tpu.assume_multiple %add3A_210, 8 : i32
      %dma_start3A_212 = arith.constant 1 : i32
      %dma_start3A_213 = arith.constant 0 : i32
      %dma_start3A_214 = tpu.memref_slice %arg5[%dma_start3A_212, %multiple_of3A_211, %dma_start3A_213] : memref<4x4096x1024xf32, #tpu.memory_space<hbm>> -> memref<1x8x1024xf32, #tpu.memory_space<hbm>>
      %dma_start3A_215 = tpu.memref_squeeze %dma_start3A_214 : memref<1x8x1024xf32, #tpu.memory_space<hbm>> -> memref<8x1024xf32, #tpu.memory_space<hbm>>
      %dma_start3A_216 = arith.constant 0 : i32
      %dma_start3A_217 = tpu.memref_slice %arg5[%dma_start3A_212, %multiple_of3A_211, %dma_start3A_216] : memref<4x4096x1024xf32, #tpu.memory_space<hbm>> -> memref<1x8x1024xf32, #tpu.memory_space<hbm>>
      %dma_start3A_218 = tpu.memref_squeeze %dma_start3A_217 : memref<1x8x1024xf32, #tpu.memory_space<hbm>> -> memref<8x1024xf32, #tpu.memory_space<hbm>>
      tpu.enqueue_dma source(%arg10 : memref<8x1024xf32, #tpu.memory_space<vmem>>) target(%dma_start3A_218 : memref<8x1024xf32, #tpu.memory_space<hbm>>) target_semaphore(%arg28 : memref<!tpu.dma_semaphore, #tpu.memory_space<semaphore_mem>>)
      %mul3A_219 = arith.constant 8 : i32
      %mul3A_220 = arith.muli %scan3A_117, %mul3A_219 : i32
      %add3A_221 = arith.constant 2 : i32
      %add3A_222 = arith.addi %mul3A_220, %add3A_221 : i32
      %ge3A_223 = arith.constant 1 : i32
      %ge3A_224 = arith.cmpi sge, %scan3A_117, %ge3A_223 : i32
      %convert_element_type3A_225 = arith.extui %ge3A_224 : i1 to i32
      %cond3A_226 = arith.constant 0 : i32
      %cond3A_227 = arith.cmpi ne, %convert_element_type3A_225, %cond3A_226 : i32
      scf.if %cond3A_227 {
        %dma_wait3A_509 = arith.constant 0 : i32
        %dma_wait3A_510 = arith.constant 0 : i32
        %dma_wait3A_511 = arith.constant 0 : i32
        %dma_wait3A_512 = tpu.memref_slice %arg5[%dma_wait3A_509, %dma_wait3A_510, %dma_wait3A_511] : memref<4x4096x1024xf32, #tpu.memory_space<hbm>> -> memref<1x8x1024xf32, #tpu.memory_space<hbm>>
        %dma_wait3A_513 = tpu.memref_squeeze %dma_wait3A_512 : memref<1x8x1024xf32, #tpu.memory_space<hbm>> -> memref<8x1024xf32, #tpu.memory_space<hbm>>
        %dma_wait3A_514 = arith.constant 0 : i32
        %dma_wait3A_515 = arith.constant 0 : i32
        %dma_wait3A_516 = tpu.memref_slice %arg5[%dma_wait3A_509, %dma_wait3A_514, %dma_wait3A_515] : memref<4x4096x1024xf32, #tpu.memory_space<hbm>> -> memref<1x8x1024xf32, #tpu.memory_space<hbm>>
        %dma_wait3A_517 = tpu.memref_squeeze %dma_wait3A_516 : memref<1x8x1024xf32, #tpu.memory_space<hbm>> -> memref<8x1024xf32, #tpu.memory_space<hbm>>
        tpu.wait_dma2 semaphore(%arg33 : memref<!tpu.dma_semaphore, #tpu.memory_space<semaphore_mem>>) src(%arg15 : memref<8x1024xf32, #tpu.memory_space<vmem>>) dst(%dma_wait3A_517 : memref<8x1024xf32, #tpu.memory_space<hbm>>)
      } else {
      }
      %add3A_228 = arith.constant 4 : i32
      %add3A_229 = arith.addi %add3A_222, %add3A_228 : i32
      %shift_right_logical3A_230 = arith.constant 2 : i32
      %shift_right_logical3A_231 = arith.shrui %add3A_229, %shift_right_logical3A_230 : i32
      %mul3A_232 = arith.constant 8 : i32
      %mul3A_233 = arith.muli %shift_right_logical3A_231, %mul3A_232 : i32
      %add3A_234 = arith.addi %mul3A_4, %mul3A_233 : i32
      %multiple_of3A_235 = tpu.assume_multiple %add3A_234, 8 : i32
      %dma_start3A_236 = arith.constant 2 : i32
      %dma_start3A_237 = arith.constant 0 : i32
      %dma_start3A_238 = tpu.memref_slice %arg2[%dma_start3A_236, %multiple_of3A_235, %dma_start3A_237] : memref<4x4096x1024xf32, #tpu.memory_space<hbm>> -> memref<1x8x1024xf32, #tpu.memory_space<hbm>>
      %dma_start3A_239 = tpu.memref_squeeze %dma_start3A_238 : memref<1x8x1024xf32, #tpu.memory_space<hbm>> -> memref<8x1024xf32, #tpu.memory_space<hbm>>
      %dma_start3A_240 = arith.constant 0 : i32
      %dma_start3A_241 = tpu.memref_slice %arg2[%dma_start3A_236, %multiple_of3A_235, %dma_start3A_240] : memref<4x4096x1024xf32, #tpu.memory_space<hbm>> -> memref<1x8x1024xf32, #tpu.memory_space<hbm>>
      %dma_start3A_242 = tpu.memref_squeeze %dma_start3A_241 : memref<1x8x1024xf32, #tpu.memory_space<hbm>> -> memref<8x1024xf32, #tpu.memory_space<hbm>>
      tpu.enqueue_dma source(%dma_start3A_242 : memref<8x1024xf32, #tpu.memory_space<hbm>>) target(%arg15 : memref<8x1024xf32, #tpu.memory_space<vmem>>) target_semaphore(%arg25 : memref<!tpu.dma_semaphore, #tpu.memory_space<semaphore_mem>>)
      %dma_wait3A_243 = arith.constant 0 : i32
      %dma_wait3A_244 = arith.constant 0 : i32
      %dma_wait3A_245 = arith.constant 0 : i32
      %dma_wait3A_246 = tpu.memref_slice %arg2[%dma_wait3A_243, %dma_wait3A_244, %dma_wait3A_245] : memref<4x4096x1024xf32, #tpu.memory_space<hbm>> -> memref<1x8x1024xf32, #tpu.memory_space<hbm>>
      %dma_wait3A_247 = tpu.memref_squeeze %dma_wait3A_246 : memref<1x8x1024xf32, #tpu.memory_space<hbm>> -> memref<8x1024xf32, #tpu.memory_space<hbm>>
      %dma_wait3A_248 = arith.constant 0 : i32
      %dma_wait3A_249 = arith.constant 0 : i32
      %dma_wait3A_250 = tpu.memref_slice %arg2[%dma_wait3A_243, %dma_wait3A_248, %dma_wait3A_249] : memref<4x4096x1024xf32, #tpu.memory_space<hbm>> -> memref<1x8x1024xf32, #tpu.memory_space<hbm>>
      %dma_wait3A_251 = tpu.memref_squeeze %dma_wait3A_250 : memref<1x8x1024xf32, #tpu.memory_space<hbm>> -> memref<8x1024xf32, #tpu.memory_space<hbm>>
      tpu.wait_dma2 semaphore(%arg21 : memref<!tpu.dma_semaphore, #tpu.memory_space<semaphore_mem>>) src(%dma_wait3A_251 : memref<8x1024xf32, #tpu.memory_space<hbm>>) dst(%arg11 : memref<8x1024xf32, #tpu.memory_space<vmem>>)
      %parallel_loop3A_252 = arith.constant 0 : i32
      %parallel_loop3A_253 = arith.constant 512 : i32
      %parallel_loop3A_254 = arith.constant 1 : i32
      scf.for %parallel_loop3A_509 = %parallel_loop3A_252 to %parallel_loop3A_253 step %parallel_loop3A_254  : i32 {
        %parallel_loop3A_510 = arith.constant 6 : i32
        %parallel_loop3A_511 = arith.shrui %parallel_loop3A_509, %parallel_loop3A_510 : i32
        %parallel_loop3A_512 = arith.constant 7 : i32
        %parallel_loop3A_513 = arith.andi %parallel_loop3A_511, %parallel_loop3A_512 : i32
        %parallel_loop3A_514 = arith.constant 63 : i32
        %parallel_loop3A_515 = arith.andi %parallel_loop3A_509, %parallel_loop3A_514 : i32
        %parallel_loop3A_516 = arith.constant 16 : i32
        %parallel_loop3A_517 = arith.muli %parallel_loop3A_515, %parallel_loop3A_516 : i32
        %parallel_loop3A_518 = arith.index_cast %parallel_loop3A_513 : i32 to index
        %parallel_loop3A_519 = arith.index_cast %parallel_loop3A_517 : i32 to index
        %parallel_loop3A_520 = tpu.vector_load %arg11[%parallel_loop3A_518, %parallel_loop3A_519] {strides = array<i32>} : memref<8x1024xf32, #tpu.memory_space<vmem>>, vector<1x16xf32>,
        %parallel_loop3A_521 = vector.shape_cast %parallel_loop3A_520 : vector<1x16xf32> to vector<16xf32>
        %parallel_loop3A_522 = arith.index_cast %parallel_loop3A_513 : i32 to index
        %parallel_loop3A_523 = arith.index_cast %parallel_loop3A_517 : i32 to index
        %parallel_loop3A_524 = tpu.vector_load %arg7[%parallel_loop3A_522, %parallel_loop3A_523] {strides = array<i32>} : memref<8x1024xf32, #tpu.memory_space<vmem>>, vector<1x16xf32>,
        %parallel_loop3A_525 = vector.shape_cast %parallel_loop3A_524 : vector<1x16xf32> to vector<16xf32>
        %parallel_loop3A_526 = arith.addf %parallel_loop3A_521, %parallel_loop3A_525 : vector<16xf32>
        %parallel_loop3A_527 = arith.index_cast %parallel_loop3A_513 : i32 to index
        %parallel_loop3A_528 = arith.index_cast %parallel_loop3A_517 : i32 to index
        %parallel_loop3A_529 = tpu.vector_load %arg11[%parallel_loop3A_527, %parallel_loop3A_528] {strides = array<i32>} : memref<8x1024xf32, #tpu.memory_space<vmem>>, vector<1x16xf32>,
        %parallel_loop3A_530 = vector.shape_cast %parallel_loop3A_529 : vector<1x16xf32> to vector<16xf32>
        %parallel_loop3A_531 = vector.shape_cast %parallel_loop3A_526 : vector<16xf32> to vector<1x16xf32>
        tpu.vector_store %arg11[%parallel_loop3A_527, %parallel_loop3A_528], %parallel_loop3A_531 {strides = array<i32>} : memref<8x1024xf32, #tpu.memory_space<vmem>>, vector<1x16xf32>,
      } {sc.loop_unroll_factor = 8 : i64, sc.parallel_access}
      %shift_right_logical3A_255 = arith.constant 2 : i32
      %shift_right_logical3A_256 = arith.shrui %add3A_222, %shift_right_logical3A_255 : i32
      %mul3A_257 = arith.constant 8 : i32
      %mul3A_258 = arith.muli %shift_right_logical3A_256, %mul3A_257 : i32
      %add3A_259 = arith.addi %mul3A_4, %mul3A_258 : i32
      %multiple_of3A_260 = tpu.assume_multiple %add3A_259, 8 : i32
      %dma_start3A_261 = arith.constant 2 : i32
      %dma_start3A_262 = arith.constant 0 : i32
      %dma_start3A_263 = tpu.memref_slice %arg5[%dma_start3A_261, %multiple_of3A_260, %dma_start3A_262] : memref<4x4096x1024xf32, #tpu.memory_space<hbm>> -> memref<1x8x1024xf32, #tpu.memory_space<hbm>>
      %dma_start3A_264 = tpu.memref_squeeze %dma_start3A_263 : memref<1x8x1024xf32, #tpu.memory_space<hbm>> -> memref<8x1024xf32, #tpu.memory_space<hbm>>
      %dma_start3A_265 = arith.constant 0 : i32
      %dma_start3A_266 = tpu.memref_slice %arg5[%dma_start3A_261, %multiple_of3A_260, %dma_start3A_265] : memref<4x4096x1024xf32, #tpu.memory_space<hbm>> -> memref<1x8x1024xf32, #tpu.memory_space<hbm>>
      %dma_start3A_267 = tpu.memref_squeeze %dma_start3A_266 : memref<1x8x1024xf32, #tpu.memory_space<hbm>> -> memref<8x1024xf32, #tpu.memory_space<hbm>>
      tpu.enqueue_dma source(%arg11 : memref<8x1024xf32, #tpu.memory_space<vmem>>) target(%dma_start3A_267 : memref<8x1024xf32, #tpu.memory_space<hbm>>) target_semaphore(%arg29 : memref<!tpu.dma_semaphore, #tpu.memory_space<semaphore_mem>>)
      %mul3A_268 = arith.constant 8 : i32
      %mul3A_269 = arith.muli %scan3A_117, %mul3A_268 : i32
      %add3A_270 = arith.constant 3 : i32
      %add3A_271 = arith.addi %mul3A_269, %add3A_270 : i32
      %ge3A_272 = arith.constant 1 : i32
      %ge3A_273 = arith.cmpi sge, %scan3A_117, %ge3A_272 : i32
      %convert_element_type3A_274 = arith.extui %ge3A_273 : i1 to i32
      %cond3A_275 = arith.constant 0 : i32
      %cond3A_276 = arith.cmpi ne, %convert_element_type3A_274, %cond3A_275 : i32
      scf.if %cond3A_276 {
        %dma_wait3A_509 = arith.constant 0 : i32
        %dma_wait3A_510 = arith.constant 0 : i32
        %dma_wait3A_511 = arith.constant 0 : i32
        %dma_wait3A_512 = tpu.memref_slice %arg5[%dma_wait3A_509, %dma_wait3A_510, %dma_wait3A_511] : memref<4x4096x1024xf32, #tpu.memory_space<hbm>> -> memref<1x8x1024xf32, #tpu.memory_space<hbm>>
        %dma_wait3A_513 = tpu.memref_squeeze %dma_wait3A_512 : memref<1x8x1024xf32, #tpu.memory_space<hbm>> -> memref<8x1024xf32, #tpu.memory_space<hbm>>
        %dma_wait3A_514 = arith.constant 0 : i32
        %dma_wait3A_515 = arith.constant 0 : i32
        %dma_wait3A_516 = tpu.memref_slice %arg5[%dma_wait3A_509, %dma_wait3A_514, %dma_wait3A_515] : memref<4x4096x1024xf32, #tpu.memory_space<hbm>> -> memref<1x8x1024xf32, #tpu.memory_space<hbm>>
        %dma_wait3A_517 = tpu.memref_squeeze %dma_wait3A_516 : memref<1x8x1024xf32, #tpu.memory_space<hbm>> -> memref<8x1024xf32, #tpu.memory_space<hbm>>
        tpu.wait_dma2 semaphore(%arg34 : memref<!tpu.dma_semaphore, #tpu.memory_space<semaphore_mem>>) src(%arg16 : memref<8x1024xf32, #tpu.memory_space<vmem>>) dst(%dma_wait3A_517 : memref<8x1024xf32, #tpu.memory_space<hbm>>)
      } else {
      }
      %add3A_277 = arith.constant 4 : i32
      %add3A_278 = arith.addi %add3A_271, %add3A_277 : i32
      %shift_right_logical3A_279 = arith.constant 2 : i32
      %shift_right_logical3A_280 = arith.shrui %add3A_278, %shift_right_logical3A_279 : i32
      %mul3A_281 = arith.constant 8 : i32
      %mul3A_282 = arith.muli %shift_right_logical3A_280, %mul3A_281 : i32
      %add3A_283 = arith.addi %mul3A_4, %mul3A_282 : i32
      %multiple_of3A_284 = tpu.assume_multiple %add3A_283, 8 : i32
      %dma_start3A_285 = arith.constant 3 : i32
      %dma_start3A_286 = arith.constant 0 : i32
      %dma_start3A_287 = tpu.memref_slice %arg2[%dma_start3A_285, %multiple_of3A_284, %dma_start3A_286] : memref<4x4096x1024xf32, #tpu.memory_space<hbm>> -> memref<1x8x1024xf32, #tpu.memory_space<hbm>>
      %dma_start3A_288 = tpu.memref_squeeze %dma_start3A_287 : memref<1x8x1024xf32, #tpu.memory_space<hbm>> -> memref<8x1024xf32, #tpu.memory_space<hbm>>
      %dma_start3A_289 = arith.constant 0 : i32
      %dma_start3A_290 = tpu.memref_slice %arg2[%dma_start3A_285, %multiple_of3A_284, %dma_start3A_289] : memref<4x4096x1024xf32, #tpu.memory_space<hbm>> -> memref<1x8x1024xf32, #tpu.memory_space<hbm>>
      %dma_start3A_291 = tpu.memref_squeeze %dma_start3A_290 : memref<1x8x1024xf32, #tpu.memory_space<hbm>> -> memref<8x1024xf32, #tpu.memory_space<hbm>>
      tpu.enqueue_dma source(%dma_start3A_291 : memref<8x1024xf32, #tpu.memory_space<hbm>>) target(%arg16 : memref<8x1024xf32, #tpu.memory_space<vmem>>) target_semaphore(%arg26 : memref<!tpu.dma_semaphore, #tpu.memory_space<semaphore_mem>>)
      %dma_wait3A_292 = arith.constant 0 : i32
      %dma_wait3A_293 = arith.constant 0 : i32
      %dma_wait3A_294 = arith.constant 0 : i32
      %dma_wait3A_295 = tpu.memref_slice %arg2[%dma_wait3A_292, %dma_wait3A_293, %dma_wait3A_294] : memref<4x4096x1024xf32, #tpu.memory_space<hbm>> -> memref<1x8x1024xf32, #tpu.memory_space<hbm>>
      %dma_wait3A_296 = tpu.memref_squeeze %dma_wait3A_295 : memref<1x8x1024xf32, #tpu.memory_space<hbm>> -> memref<8x1024xf32, #tpu.memory_space<hbm>>
      %dma_wait3A_297 = arith.constant 0 : i32
      %dma_wait3A_298 = arith.constant 0 : i32
      %dma_wait3A_299 = tpu.memref_slice %arg2[%dma_wait3A_292, %dma_wait3A_297, %dma_wait3A_298] : memref<4x4096x1024xf32, #tpu.memory_space<hbm>> -> memref<1x8x1024xf32, #tpu.memory_space<hbm>>
      %dma_wait3A_300 = tpu.memref_squeeze %dma_wait3A_299 : memref<1x8x1024xf32, #tpu.memory_space<hbm>> -> memref<8x1024xf32, #tpu.memory_space<hbm>>
      tpu.wait_dma2 semaphore(%arg22 : memref<!tpu.dma_semaphore, #tpu.memory_space<semaphore_mem>>) src(%dma_wait3A_300 : memref<8x1024xf32, #tpu.memory_space<hbm>>) dst(%arg12 : memref<8x1024xf32, #tpu.memory_space<vmem>>)
      %parallel_loop3A_301 = arith.constant 0 : i32
      %parallel_loop3A_302 = arith.constant 512 : i32
      %parallel_loop3A_303 = arith.constant 1 : i32
      scf.for %parallel_loop3A_509 = %parallel_loop3A_301 to %parallel_loop3A_302 step %parallel_loop3A_303  : i32 {
        %parallel_loop3A_510 = arith.constant 6 : i32
        %parallel_loop3A_511 = arith.shrui %parallel_loop3A_509, %parallel_loop3A_510 : i32
        %parallel_loop3A_512 = arith.constant 7 : i32
        %parallel_loop3A_513 = arith.andi %parallel_loop3A_511, %parallel_loop3A_512 : i32
        %parallel_loop3A_514 = arith.constant 63 : i32
        %parallel_loop3A_515 = arith.andi %parallel_loop3A_509, %parallel_loop3A_514 : i32
        %parallel_loop3A_516 = arith.constant 16 : i32
        %parallel_loop3A_517 = arith.muli %parallel_loop3A_515, %parallel_loop3A_516 : i32
        %parallel_loop3A_518 = arith.index_cast %parallel_loop3A_513 : i32 to index
        %parallel_loop3A_519 = arith.index_cast %parallel_loop3A_517 : i32 to index
        %parallel_loop3A_520 = tpu.vector_load %arg12[%parallel_loop3A_518, %parallel_loop3A_519] {strides = array<i32>} : memref<8x1024xf32, #tpu.memory_space<vmem>>, vector<1x16xf32>,
        %parallel_loop3A_521 = vector.shape_cast %parallel_loop3A_520 : vector<1x16xf32> to vector<16xf32>
        %parallel_loop3A_522 = arith.index_cast %parallel_loop3A_513 : i32 to index
        %parallel_loop3A_523 = arith.index_cast %parallel_loop3A_517 : i32 to index
        %parallel_loop3A_524 = tpu.vector_load %arg7[%parallel_loop3A_522, %parallel_loop3A_523] {strides = array<i32>} : memref<8x1024xf32, #tpu.memory_space<vmem>>, vector<1x16xf32>,
        %parallel_loop3A_525 = vector.shape_cast %parallel_loop3A_524 : vector<1x16xf32> to vector<16xf32>
        %parallel_loop3A_526 = arith.addf %parallel_loop3A_521, %parallel_loop3A_525 : vector<16xf32>
        %parallel_loop3A_527 = arith.index_cast %parallel_loop3A_513 : i32 to index
        %parallel_loop3A_528 = arith.index_cast %parallel_loop3A_517 : i32 to index
        %parallel_loop3A_529 = tpu.vector_load %arg12[%parallel_loop3A_527, %parallel_loop3A_528] {strides = array<i32>} : memref<8x1024xf32, #tpu.memory_space<vmem>>, vector<1x16xf32>,
        %parallel_loop3A_530 = vector.shape_cast %parallel_loop3A_529 : vector<1x16xf32> to vector<16xf32>
        %parallel_loop3A_531 = vector.shape_cast %parallel_loop3A_526 : vector<16xf32> to vector<1x16xf32>
        tpu.vector_store %arg12[%parallel_loop3A_527, %parallel_loop3A_528], %parallel_loop3A_531 {strides = array<i32>} : memref<8x1024xf32, #tpu.memory_space<vmem>>, vector<1x16xf32>,
      } {sc.loop_unroll_factor = 8 : i64, sc.parallel_access}
      %shift_right_logical3A_304 = arith.constant 2 : i32
      %shift_right_logical3A_305 = arith.shrui %add3A_271, %shift_right_logical3A_304 : i32
      %mul3A_306 = arith.constant 8 : i32
      %mul3A_307 = arith.muli %shift_right_logical3A_305, %mul3A_306 : i32
      %add3A_308 = arith.addi %mul3A_4, %mul3A_307 : i32
      %multiple_of3A_309 = tpu.assume_multiple %add3A_308, 8 : i32
      %dma_start3A_310 = arith.constant 3 : i32
      %dma_start3A_311 = arith.constant 0 : i32
      %dma_start3A_312 = tpu.memref_slice %arg5[%dma_start3A_310, %multiple_of3A_309, %dma_start3A_311] : memref<4x4096x1024xf32, #tpu.memory_space<hbm>> -> memref<1x8x1024xf32, #tpu.memory_space<hbm>>
      %dma_start3A_313 = tpu.memref_squeeze %dma_start3A_312 : memref<1x8x1024xf32, #tpu.memory_space<hbm>> -> memref<8x1024xf32, #tpu.memory_space<hbm>>
      %dma_start3A_314 = arith.constant 0 : i32
      %dma_start3A_315 = tpu.memref_slice %arg5[%dma_start3A_310, %multiple_of3A_309, %dma_start3A_314] : memref<4x4096x1024xf32, #tpu.memory_space<hbm>> -> memref<1x8x1024xf32, #tpu.memory_space<hbm>>
      %dma_start3A_316 = tpu.memref_squeeze %dma_start3A_315 : memref<1x8x1024xf32, #tpu.memory_space<hbm>> -> memref<8x1024xf32, #tpu.memory_space<hbm>>
      tpu.enqueue_dma source(%arg12 : memref<8x1024xf32, #tpu.memory_space<vmem>>) target(%dma_start3A_316 : memref<8x1024xf32, #tpu.memory_space<hbm>>) target_semaphore(%arg30 : memref<!tpu.dma_semaphore, #tpu.memory_space<semaphore_mem>>)
      %add3A_317 = arith.constant 2 : i32
      %add3A_318 = arith.addi %shift_right_logical3A_305, %add3A_317 : i32
      %lt3A = arith.constant 16 : i32
      %lt3A_319 = arith.cmpi slt, %add3A_318, %lt3A : i32
      %convert_element_type3A_320 = arith.extui %lt3A_319 : i1 to i32
      %cond3A_321 = arith.constant 0 : i32
      %cond3A_322 = arith.cmpi ne, %convert_element_type3A_320, %cond3A_321 : i32
      scf.if %cond3A_322 {
        %add3A_509 = arith.constant 2 : i32
        %add3A_510 = arith.addi %shift_right_logical3A_305, %add3A_509 : i32
        %mul3A_511 = arith.constant 8 : i32
        %mul3A_512 = arith.muli %add3A_510, %mul3A_511 : i32
        %add3A_513 = arith.addi %mul3A_4, %mul3A_512 : i32
        %multiple_of3A_514 = tpu.assume_multiple %add3A_513, 8 : i32
        %add3A_515 = arith.addi %squeeze3A, %multiple_of3A_514 : i32
        %multiple_of3A_516 = tpu.assume_multiple %add3A_515, 8 : i32
        %dma_start3A_517 = arith.constant 0 : i32
        %dma_start3A_518 = tpu.memref_slice %arg3[%multiple_of3A_516, %dma_start3A_517] : memref<8192x1024xf32, #tpu.memory_space<hbm>> -> memref<8x1024xf32, #tpu.memory_space<hbm>>
        %dma_start3A_519 = arith.constant 0 : i32
        %dma_start3A_520 = tpu.memref_slice %arg3[%multiple_of3A_516, %dma_start3A_519] : memref<8192x1024xf32, #tpu.memory_space<hbm>> -> memref<8x1024xf32, #tpu.memory_space<hbm>>
        tpu.enqueue_dma source(%dma_start3A_520 : memref<8x1024xf32, #tpu.memory_space<hbm>>) target(%arg7 : memref<8x1024xf32, #tpu.memory_space<vmem>>) target_semaphore(%arg17 : memref<!tpu.dma_semaphore, #tpu.memory_space<semaphore_mem>>)
      } else {
      }
      %mul3A_323 = arith.constant 8 : i32
      %mul3A_324 = arith.muli %scan3A_117, %mul3A_323 : i32
      %add3A_325 = arith.constant 4 : i32
      %add3A_326 = arith.addi %mul3A_324, %add3A_325 : i32
      %dma_wait3A_327 = arith.constant 0 : i32
      %dma_wait3A_328 = arith.constant 0 : i32
      %dma_wait3A_329 = tpu.memref_slice %arg3[%dma_wait3A_327, %dma_wait3A_328] : memref<8192x1024xf32, #tpu.memory_space<hbm>> -> memref<8x1024xf32, #tpu.memory_space<hbm>>
      %dma_wait3A_330 = arith.constant 0 : i32
      %dma_wait3A_331 = arith.constant 0 : i32
      %dma_wait3A_332 = tpu.memref_slice %arg3[%dma_wait3A_330, %dma_wait3A_331] : memref<8192x1024xf32, #tpu.memory_space<hbm>> -> memref<8x1024xf32, #tpu.memory_space<hbm>>
      tpu.wait_dma2 semaphore(%arg18 : memref<!tpu.dma_semaphore, #tpu.memory_space<semaphore_mem>>) src(%dma_wait3A_332 : memref<8x1024xf32, #tpu.memory_space<hbm>>) dst(%arg8 : memref<8x1024xf32, #tpu.memory_space<vmem>>)
      %dma_wait3A_333 = arith.constant 0 : i32
      %dma_wait3A_334 = arith.constant 0 : i32
      %dma_wait3A_335 = arith.constant 0 : i32
      %dma_wait3A_336 = tpu.memref_slice %arg5[%dma_wait3A_333, %dma_wait3A_334, %dma_wait3A_335] : memref<4x4096x1024xf32, #tpu.memory_space<hbm>> -> memref<1x8x1024xf32, #tpu.memory_space<hbm>>
      %dma_wait3A_337 = tpu.memref_squeeze %dma_wait3A_336 : memref<1x8x1024xf32, #tpu.memory_space<hbm>> -> memref<8x1024xf32, #tpu.memory_space<hbm>>
      %dma_wait3A_338 = arith.constant 0 : i32
      %dma_wait3A_339 = arith.constant 0 : i32
      %dma_wait3A_340 = tpu.memref_slice %arg5[%dma_wait3A_333, %dma_wait3A_338, %dma_wait3A_339] : memref<4x4096x1024xf32, #tpu.memory_space<hbm>> -> memref<1x8x1024xf32, #tpu.memory_space<hbm>>
      %dma_wait3A_341 = tpu.memref_squeeze %dma_wait3A_340 : memref<1x8x1024xf32, #tpu.memory_space<hbm>> -> memref<8x1024xf32, #tpu.memory_space<hbm>>
      tpu.wait_dma2 semaphore(%arg27 : memref<!tpu.dma_semaphore, #tpu.memory_space<semaphore_mem>>) src(%arg9 : memref<8x1024xf32, #tpu.memory_space<vmem>>) dst(%dma_wait3A_341 : memref<8x1024xf32, #tpu.memory_space<hbm>>)
      %lt3A_342 = arith.constant 7 : i32
      %lt3A_343 = arith.cmpi slt, %scan3A_117, %lt3A_342 : i32
      %convert_element_type3A_344 = arith.extui %lt3A_343 : i1 to i32
      %cond3A_345 = arith.constant 0 : i32
      %cond3A_346 = arith.cmpi ne, %convert_element_type3A_344, %cond3A_345 : i32
      scf.if %cond3A_346 {
        %add3A_509 = arith.constant 4 : i32
        %add3A_510 = arith.addi %add3A_326, %add3A_509 : i32
        %shift_right_logical3A_511 = arith.constant 2 : i32
        %shift_right_logical3A_512 = arith.shrui %add3A_510, %shift_right_logical3A_511 : i32
        %mul3A_513 = arith.constant 8 : i32
        %mul3A_514 = arith.muli %shift_right_logical3A_512, %mul3A_513 : i32
        %add3A_515 = arith.addi %mul3A_4, %mul3A_514 : i32
        %multiple_of3A_516 = tpu.assume_multiple %add3A_515, 8 : i32
        %dma_start3A_517 = arith.constant 0 : i32
        %dma_start3A_518 = arith.constant 0 : i32
        %dma_start3A_519 = tpu.memref_slice %arg2[%dma_start3A_517, %multiple_of3A_516, %dma_start3A_518] : memref<4x4096x1024xf32, #tpu.memory_space<hbm>> -> memref<1x8x1024xf32, #tpu.memory_space<hbm>>
        %dma_start3A_520 = tpu.memref_squeeze %dma_start3A_519 : memref<1x8x1024xf32, #tpu.memory_space<hbm>> -> memref<8x1024xf32, #tpu.memory_space<hbm>>
        %dma_start3A_521 = arith.constant 0 : i32
        %dma_start3A_522 = tpu.memref_slice %arg2[%dma_start3A_517, %multiple_of3A_516, %dma_start3A_521] : memref<4x4096x1024xf32, #tpu.memory_space<hbm>> -> memref<1x8x1024xf32, #tpu.memory_space<hbm>>
        %dma_start3A_523 = tpu.memref_squeeze %dma_start3A_522 : memref<1x8x1024xf32, #tpu.memory_space<hbm>> -> memref<8x1024xf32, #tpu.memory_space<hbm>>
        tpu.enqueue_dma source(%dma_start3A_523 : memref<8x1024xf32, #tpu.memory_space<hbm>>) target(%arg9 : memref<8x1024xf32, #tpu.memory_space<vmem>>) target_semaphore(%arg19 : memref<!tpu.dma_semaphore, #tpu.memory_space<semaphore_mem>>)
      } else {
      }
      %dma_wait3A_347 = arith.constant 0 : i32
      %dma_wait3A_348 = arith.constant 0 : i32
      %dma_wait3A_349 = arith.constant 0 : i32
      %dma_wait3A_350 = tpu.memref_slice %arg2[%dma_wait3A_347, %dma_wait3A_348, %dma_wait3A_349] : memref<4x4096x1024xf32, #tpu.memory_space<hbm>> -> memref<1x8x1024xf32, #tpu.memory_space<hbm>>
      %dma_wait3A_351 = tpu.memref_squeeze %dma_wait3A_350 : memref<1x8x1024xf32, #tpu.memory_space<hbm>> -> memref<8x1024xf32, #tpu.memory_space<hbm>>
      %dma_wait3A_352 = arith.constant 0 : i32
      %dma_wait3A_353 = arith.constant 0 : i32
      %dma_wait3A_354 = tpu.memref_slice %arg2[%dma_wait3A_347, %dma_wait3A_352, %dma_wait3A_353] : memref<4x4096x1024xf32, #tpu.memory_space<hbm>> -> memref<1x8x1024xf32, #tpu.memory_space<hbm>>
      %dma_wait3A_355 = tpu.memref_squeeze %dma_wait3A_354 : memref<1x8x1024xf32, #tpu.memory_space<hbm>> -> memref<8x1024xf32, #tpu.memory_space<hbm>>
      tpu.wait_dma2 semaphore(%arg23 : memref<!tpu.dma_semaphore, #tpu.memory_space<semaphore_mem>>) src(%dma_wait3A_355 : memref<8x1024xf32, #tpu.memory_space<hbm>>) dst(%arg13 : memref<8x1024xf32, #tpu.memory_space<vmem>>)
      %parallel_loop3A_356 = arith.constant 0 : i32
      %parallel_loop3A_357 = arith.constant 512 : i32
      %parallel_loop3A_358 = arith.constant 1 : i32
      scf.for %parallel_loop3A_509 = %parallel_loop3A_356 to %parallel_loop3A_357 step %parallel_loop3A_358  : i32 {
        %parallel_loop3A_510 = arith.constant 6 : i32
        %parallel_loop3A_511 = arith.shrui %parallel_loop3A_509, %parallel_loop3A_510 : i32
        %parallel_loop3A_512 = arith.constant 7 : i32
        %parallel_loop3A_513 = arith.andi %parallel_loop3A_511, %parallel_loop3A_512 : i32
        %parallel_loop3A_514 = arith.constant 63 : i32
        %parallel_loop3A_515 = arith.andi %parallel_loop3A_509, %parallel_loop3A_514 : i32
        %parallel_loop3A_516 = arith.constant 16 : i32
        %parallel_loop3A_517 = arith.muli %parallel_loop3A_515, %parallel_loop3A_516 : i32
        %parallel_loop3A_518 = arith.index_cast %parallel_loop3A_513 : i32 to index
        %parallel_loop3A_519 = arith.index_cast %parallel_loop3A_517 : i32 to index
        %parallel_loop3A_520 = tpu.vector_load %arg13[%parallel_loop3A_518, %parallel_loop3A_519] {strides = array<i32>} : memref<8x1024xf32, #tpu.memory_space<vmem>>, vector<1x16xf32>,
        %parallel_loop3A_521 = vector.shape_cast %parallel_loop3A_520 : vector<1x16xf32> to vector<16xf32>
        %parallel_loop3A_522 = arith.index_cast %parallel_loop3A_513 : i32 to index
        %parallel_loop3A_523 = arith.index_cast %parallel_loop3A_517 : i32 to index
        %parallel_loop3A_524 = tpu.vector_load %arg8[%parallel_loop3A_522, %parallel_loop3A_523] {strides = array<i32>} : memref<8x1024xf32, #tpu.memory_space<vmem>>, vector<1x16xf32>,
        %parallel_loop3A_525 = vector.shape_cast %parallel_loop3A_524 : vector<1x16xf32> to vector<16xf32>
        %parallel_loop3A_526 = arith.addf %parallel_loop3A_521, %parallel_loop3A_525 : vector<16xf32>
        %parallel_loop3A_527 = arith.index_cast %parallel_loop3A_513 : i32 to index
        %parallel_loop3A_528 = arith.index_cast %parallel_loop3A_517 : i32 to index
        %parallel_loop3A_529 = tpu.vector_load %arg13[%parallel_loop3A_527, %parallel_loop3A_528] {strides = array<i32>} : memref<8x1024xf32, #tpu.memory_space<vmem>>, vector<1x16xf32>,
        %parallel_loop3A_530 = vector.shape_cast %parallel_loop3A_529 : vector<1x16xf32> to vector<16xf32>
        %parallel_loop3A_531 = vector.shape_cast %parallel_loop3A_526 : vector<16xf32> to vector<1x16xf32>
        tpu.vector_store %arg13[%parallel_loop3A_527, %parallel_loop3A_528], %parallel_loop3A_531 {strides = array<i32>} : memref<8x1024xf32, #tpu.memory_space<vmem>>, vector<1x16xf32>,
      } {sc.loop_unroll_factor = 8 : i64, sc.parallel_access}
      %shift_right_logical3A_359 = arith.constant 2 : i32
      %shift_right_logical3A_360 = arith.shrui %add3A_326, %shift_right_logical3A_359 : i32
      %mul3A_361 = arith.constant 8 : i32
      %mul3A_362 = arith.muli %shift_right_logical3A_360, %mul3A_361 : i32
      %add3A_363 = arith.addi %mul3A_4, %mul3A_362 : i32
      %multiple_of3A_364 = tpu.assume_multiple %add3A_363, 8 : i32
      %dma_start3A_365 = arith.constant 0 : i32
      %dma_start3A_366 = arith.constant 0 : i32
      %dma_start3A_367 = tpu.memref_slice %arg5[%dma_start3A_365, %multiple_of3A_364, %dma_start3A_366] : memref<4x4096x1024xf32, #tpu.memory_space<hbm>> -> memref<1x8x1024xf32, #tpu.memory_space<hbm>>
      %dma_start3A_368 = tpu.memref_squeeze %dma_start3A_367 : memref<1x8x1024xf32, #tpu.memory_space<hbm>> -> memref<8x1024xf32, #tpu.memory_space<hbm>>
      %dma_start3A_369 = arith.constant 0 : i32
      %dma_start3A_370 = tpu.memref_slice %arg5[%dma_start3A_365, %multiple_of3A_364, %dma_start3A_369] : memref<4x4096x1024xf32, #tpu.memory_space<hbm>> -> memref<1x8x1024xf32, #tpu.memory_space<hbm>>
      %dma_start3A_371 = tpu.memref_squeeze %dma_start3A_370 : memref<1x8x1024xf32, #tpu.memory_space<hbm>> -> memref<8x1024xf32, #tpu.memory_space<hbm>>
      tpu.enqueue_dma source(%arg13 : memref<8x1024xf32, #tpu.memory_space<vmem>>) target(%dma_start3A_371 : memref<8x1024xf32, #tpu.memory_space<hbm>>) target_semaphore(%arg31 : memref<!tpu.dma_semaphore, #tpu.memory_space<semaphore_mem>>)
      %mul3A_372 = arith.constant 8 : i32
      %mul3A_373 = arith.muli %scan3A_117, %mul3A_372 : i32
      %add3A_374 = arith.constant 5 : i32
      %add3A_375 = arith.addi %mul3A_373, %add3A_374 : i32
      %dma_wait3A_376 = arith.constant 0 : i32
      %dma_wait3A_377 = arith.constant 0 : i32
      %dma_wait3A_378 = arith.constant 0 : i32
      %dma_wait3A_379 = tpu.memref_slice %arg5[%dma_wait3A_376, %dma_wait3A_377, %dma_wait3A_378] : memref<4x4096x1024xf32, #tpu.memory_space<hbm>> -> memref<1x8x1024xf32, #tpu.memory_space<hbm>>
      %dma_wait3A_380 = tpu.memref_squeeze %dma_wait3A_379 : memref<1x8x1024xf32, #tpu.memory_space<hbm>> -> memref<8x1024xf32, #tpu.memory_space<hbm>>
      %dma_wait3A_381 = arith.constant 0 : i32
      %dma_wait3A_382 = arith.constant 0 : i32
      %dma_wait3A_383 = tpu.memref_slice %arg5[%dma_wait3A_376, %dma_wait3A_381, %dma_wait3A_382] : memref<4x4096x1024xf32, #tpu.memory_space<hbm>> -> memref<1x8x1024xf32, #tpu.memory_space<hbm>>
      %dma_wait3A_384 = tpu.memref_squeeze %dma_wait3A_383 : memref<1x8x1024xf32, #tpu.memory_space<hbm>> -> memref<8x1024xf32, #tpu.memory_space<hbm>>
      tpu.wait_dma2 semaphore(%arg28 : memref<!tpu.dma_semaphore, #tpu.memory_space<semaphore_mem>>) src(%arg10 : memref<8x1024xf32, #tpu.memory_space<vmem>>) dst(%dma_wait3A_384 : memref<8x1024xf32, #tpu.memory_space<hbm>>)
      %lt3A_385 = arith.constant 7 : i32
      %lt3A_386 = arith.cmpi slt, %scan3A_117, %lt3A_385 : i32
      %convert_element_type3A_387 = arith.extui %lt3A_386 : i1 to i32
      %cond3A_388 = arith.constant 0 : i32
      %cond3A_389 = arith.cmpi ne, %convert_element_type3A_387, %cond3A_388 : i32
      scf.if %cond3A_389 {
        %add3A_509 = arith.constant 4 : i32
        %add3A_510 = arith.addi %add3A_375, %add3A_509 : i32
        %shift_right_logical3A_511 = arith.constant 2 : i32
        %shift_right_logical3A_512 = arith.shrui %add3A_510, %shift_right_logical3A_511 : i32
        %mul3A_513 = arith.constant 8 : i32
        %mul3A_514 = arith.muli %shift_right_logical3A_512, %mul3A_513 : i32
        %add3A_515 = arith.addi %mul3A_4, %mul3A_514 : i32
        %multiple_of3A_516 = tpu.assume_multiple %add3A_515, 8 : i32
        %dma_start3A_517 = arith.constant 1 : i32
        %dma_start3A_518 = arith.constant 0 : i32
        %dma_start3A_519 = tpu.memref_slice %arg2[%dma_start3A_517, %multiple_of3A_516, %dma_start3A_518] : memref<4x4096x1024xf32, #tpu.memory_space<hbm>> -> memref<1x8x1024xf32, #tpu.memory_space<hbm>>
        %dma_start3A_520 = tpu.memref_squeeze %dma_start3A_519 : memref<1x8x1024xf32, #tpu.memory_space<hbm>> -> memref<8x1024xf32, #tpu.memory_space<hbm>>
        %dma_start3A_521 = arith.constant 0 : i32
        %dma_start3A_522 = tpu.memref_slice %arg2[%dma_start3A_517, %multiple_of3A_516, %dma_start3A_521] : memref<4x4096x1024xf32, #tpu.memory_space<hbm>> -> memref<1x8x1024xf32, #tpu.memory_space<hbm>>
        %dma_start3A_523 = tpu.memref_squeeze %dma_start3A_522 : memref<1x8x1024xf32, #tpu.memory_space<hbm>> -> memref<8x1024xf32, #tpu.memory_space<hbm>>
        tpu.enqueue_dma source(%dma_start3A_523 : memref<8x1024xf32, #tpu.memory_space<hbm>>) target(%arg10 : memref<8x1024xf32, #tpu.memory_space<vmem>>) target_semaphore(%arg20 : memref<!tpu.dma_semaphore, #tpu.memory_space<semaphore_mem>>)
      } else {
      }
      %dma_wait3A_390 = arith.constant 0 : i32
      %dma_wait3A_391 = arith.constant 0 : i32
      %dma_wait3A_392 = arith.constant 0 : i32
      %dma_wait3A_393 = tpu.memref_slice %arg2[%dma_wait3A_390, %dma_wait3A_391, %dma_wait3A_392] : memref<4x4096x1024xf32, #tpu.memory_space<hbm>> -> memref<1x8x1024xf32, #tpu.memory_space<hbm>>
      %dma_wait3A_394 = tpu.memref_squeeze %dma_wait3A_393 : memref<1x8x1024xf32, #tpu.memory_space<hbm>> -> memref<8x1024xf32, #tpu.memory_space<hbm>>
      %dma_wait3A_395 = arith.constant 0 : i32
      %dma_wait3A_396 = arith.constant 0 : i32
      %dma_wait3A_397 = tpu.memref_slice %arg2[%dma_wait3A_390, %dma_wait3A_395, %dma_wait3A_396] : memref<4x4096x1024xf32, #tpu.memory_space<hbm>> -> memref<1x8x1024xf32, #tpu.memory_space<hbm>>
      %dma_wait3A_398 = tpu.memref_squeeze %dma_wait3A_397 : memref<1x8x1024xf32, #tpu.memory_space<hbm>> -> memref<8x1024xf32, #tpu.memory_space<hbm>>
      tpu.wait_dma2 semaphore(%arg24 : memref<!tpu.dma_semaphore, #tpu.memory_space<semaphore_mem>>) src(%dma_wait3A_398 : memref<8x1024xf32, #tpu.memory_space<hbm>>) dst(%arg14 : memref<8x1024xf32, #tpu.memory_space<vmem>>)
      %parallel_loop3A_399 = arith.constant 0 : i32
      %parallel_loop3A_400 = arith.constant 512 : i32
      %parallel_loop3A_401 = arith.constant 1 : i32
      scf.for %parallel_loop3A_509 = %parallel_loop3A_399 to %parallel_loop3A_400 step %parallel_loop3A_401  : i32 {
        %parallel_loop3A_510 = arith.constant 6 : i32
        %parallel_loop3A_511 = arith.shrui %parallel_loop3A_509, %parallel_loop3A_510 : i32
        %parallel_loop3A_512 = arith.constant 7 : i32
        %parallel_loop3A_513 = arith.andi %parallel_loop3A_511, %parallel_loop3A_512 : i32
        %parallel_loop3A_514 = arith.constant 63 : i32
        %parallel_loop3A_515 = arith.andi %parallel_loop3A_509, %parallel_loop3A_514 : i32
        %parallel_loop3A_516 = arith.constant 16 : i32
        %parallel_loop3A_517 = arith.muli %parallel_loop3A_515, %parallel_loop3A_516 : i32
        %parallel_loop3A_518 = arith.index_cast %parallel_loop3A_513 : i32 to index
        %parallel_loop3A_519 = arith.index_cast %parallel_loop3A_517 : i32 to index
        %parallel_loop3A_520 = tpu.vector_load %arg14[%parallel_loop3A_518, %parallel_loop3A_519] {strides = array<i32>} : memref<8x1024xf32, #tpu.memory_space<vmem>>, vector<1x16xf32>,
        %parallel_loop3A_521 = vector.shape_cast %parallel_loop3A_520 : vector<1x16xf32> to vector<16xf32>
        %parallel_loop3A_522 = arith.index_cast %parallel_loop3A_513 : i32 to index
        %parallel_loop3A_523 = arith.index_cast %parallel_loop3A_517 : i32 to index
        %parallel_loop3A_524 = tpu.vector_load %arg8[%parallel_loop3A_522, %parallel_loop3A_523] {strides = array<i32>} : memref<8x1024xf32, #tpu.memory_space<vmem>>, vector<1x16xf32>,
        %parallel_loop3A_525 = vector.shape_cast %parallel_loop3A_524 : vector<1x16xf32> to vector<16xf32>
        %parallel_loop3A_526 = arith.addf %parallel_loop3A_521, %parallel_loop3A_525 : vector<16xf32>
        %parallel_loop3A_527 = arith.index_cast %parallel_loop3A_513 : i32 to index
        %parallel_loop3A_528 = arith.index_cast %parallel_loop3A_517 : i32 to index
        %parallel_loop3A_529 = tpu.vector_load %arg14[%parallel_loop3A_527, %parallel_loop3A_528] {strides = array<i32>} : memref<8x1024xf32, #tpu.memory_space<vmem>>, vector<1x16xf32>,
        %parallel_loop3A_530 = vector.shape_cast %parallel_loop3A_529 : vector<1x16xf32> to vector<16xf32>
        %parallel_loop3A_531 = vector.shape_cast %parallel_loop3A_526 : vector<16xf32> to vector<1x16xf32>
        tpu.vector_store %arg14[%parallel_loop3A_527, %parallel_loop3A_528], %parallel_loop3A_531 {strides = array<i32>} : memref<8x1024xf32, #tpu.memory_space<vmem>>, vector<1x16xf32>,
      } {sc.loop_unroll_factor = 8 : i64, sc.parallel_access}
      %shift_right_logical3A_402 = arith.constant 2 : i32
      %shift_right_logical3A_403 = arith.shrui %add3A_375, %shift_right_logical3A_402 : i32
      %mul3A_404 = arith.constant 8 : i32
      %mul3A_405 = arith.muli %shift_right_logical3A_403, %mul3A_404 : i32
      %add3A_406 = arith.addi %mul3A_4, %mul3A_405 : i32
      %multiple_of3A_407 = tpu.assume_multiple %add3A_406, 8 : i32
      %dma_start3A_408 = arith.constant 1 : i32
      %dma_start3A_409 = arith.constant 0 : i32
      %dma_start3A_410 = tpu.memref_slice %arg5[%dma_start3A_408, %multiple_of3A_407, %dma_start3A_409] : memref<4x4096x1024xf32, #tpu.memory_space<hbm>> -> memref<1x8x1024xf32, #tpu.memory_space<hbm>>
      %dma_start3A_411 = tpu.memref_squeeze %dma_start3A_410 : memref<1x8x1024xf32, #tpu.memory_space<hbm>> -> memref<8x1024xf32, #tpu.memory_space<hbm>>
      %dma_start3A_412 = arith.constant 0 : i32
      %dma_start3A_413 = tpu.memref_slice %arg5[%dma_start3A_408, %multiple_of3A_407, %dma_start3A_412] : memref<4x4096x1024xf32, #tpu.memory_space<hbm>> -> memref<1x8x1024xf32, #tpu.memory_space<hbm>>
      %dma_start3A_414 = tpu.memref_squeeze %dma_start3A_413 : memref<1x8x1024xf32, #tpu.memory_space<hbm>> -> memref<8x1024xf32, #tpu.memory_space<hbm>>
      tpu.enqueue_dma source(%arg14 : memref<8x1024xf32, #tpu.memory_space<vmem>>) target(%dma_start3A_414 : memref<8x1024xf32, #tpu.memory_space<hbm>>) target_semaphore(%arg32 : memref<!tpu.dma_semaphore, #tpu.memory_space<semaphore_mem>>)
      %mul3A_415 = arith.constant 8 : i32
      %mul3A_416 = arith.muli %scan3A_117, %mul3A_415 : i32
      %add3A_417 = arith.constant 6 : i32
      %add3A_418 = arith.addi %mul3A_416, %add3A_417 : i32
      %dma_wait3A_419 = arith.constant 0 : i32
      %dma_wait3A_420 = arith.constant 0 : i32
      %dma_wait3A_421 = arith.constant 0 : i32
      %dma_wait3A_422 = tpu.memref_slice %arg5[%dma_wait3A_419, %dma_wait3A_420, %dma_wait3A_421] : memref<4x4096x1024xf32, #tpu.memory_space<hbm>> -> memref<1x8x1024xf32, #tpu.memory_space<hbm>>
      %dma_wait3A_423 = tpu.memref_squeeze %dma_wait3A_422 : memref<1x8x1024xf32, #tpu.memory_space<hbm>> -> memref<8x1024xf32, #tpu.memory_space<hbm>>
      %dma_wait3A_424 = arith.constant 0 : i32
      %dma_wait3A_425 = arith.constant 0 : i32
      %dma_wait3A_426 = tpu.memref_slice %arg5[%dma_wait3A_419, %dma_wait3A_424, %dma_wait3A_425] : memref<4x4096x1024xf32, #tpu.memory_space<hbm>> -> memref<1x8x1024xf32, #tpu.memory_space<hbm>>
      %dma_wait3A_427 = tpu.memref_squeeze %dma_wait3A_426 : memref<1x8x1024xf32, #tpu.memory_space<hbm>> -> memref<8x1024xf32, #tpu.memory_space<hbm>>
      tpu.wait_dma2 semaphore(%arg29 : memref<!tpu.dma_semaphore, #tpu.memory_space<semaphore_mem>>) src(%arg11 : memref<8x1024xf32, #tpu.memory_space<vmem>>) dst(%dma_wait3A_427 : memref<8x1024xf32, #tpu.memory_space<hbm>>)
      %lt3A_428 = arith.constant 7 : i32
      %lt3A_429 = arith.cmpi slt, %scan3A_117, %lt3A_428 : i32
      %convert_element_type3A_430 = arith.extui %lt3A_429 : i1 to i32
      %cond3A_431 = arith.constant 0 : i32
      %cond3A_432 = arith.cmpi ne, %convert_element_type3A_430, %cond3A_431 : i32
      scf.if %cond3A_432 {
        %add3A_509 = arith.constant 4 : i32
        %add3A_510 = arith.addi %add3A_418, %add3A_509 : i32
        %shift_right_logical3A_511 = arith.constant 2 : i32
        %shift_right_logical3A_512 = arith.shrui %add3A_510, %shift_right_logical3A_511 : i32
        %mul3A_513 = arith.constant 8 : i32
        %mul3A_514 = arith.muli %shift_right_logical3A_512, %mul3A_513 : i32
        %add3A_515 = arith.addi %mul3A_4, %mul3A_514 : i32
        %multiple_of3A_516 = tpu.assume_multiple %add3A_515, 8 : i32
        %dma_start3A_517 = arith.constant 2 : i32
        %dma_start3A_518 = arith.constant 0 : i32
        %dma_start3A_519 = tpu.memref_slice %arg2[%dma_start3A_517, %multiple_of3A_516, %dma_start3A_518] : memref<4x4096x1024xf32, #tpu.memory_space<hbm>> -> memref<1x8x1024xf32, #tpu.memory_space<hbm>>
        %dma_start3A_520 = tpu.memref_squeeze %dma_start3A_519 : memref<1x8x1024xf32, #tpu.memory_space<hbm>> -> memref<8x1024xf32, #tpu.memory_space<hbm>>
        %dma_start3A_521 = arith.constant 0 : i32
        %dma_start3A_522 = tpu.memref_slice %arg2[%dma_start3A_517, %multiple_of3A_516, %dma_start3A_521] : memref<4x4096x1024xf32, #tpu.memory_space<hbm>> -> memref<1x8x1024xf32, #tpu.memory_space<hbm>>
        %dma_start3A_523 = tpu.memref_squeeze %dma_start3A_522 : memref<1x8x1024xf32, #tpu.memory_space<hbm>> -> memref<8x1024xf32, #tpu.memory_space<hbm>>
        tpu.enqueue_dma source(%dma_start3A_523 : memref<8x1024xf32, #tpu.memory_space<hbm>>) target(%arg11 : memref<8x1024xf32, #tpu.memory_space<vmem>>) target_semaphore(%arg21 : memref<!tpu.dma_semaphore, #tpu.memory_space<semaphore_mem>>)
      } else {
      }
      %dma_wait3A_433 = arith.constant 0 : i32
      %dma_wait3A_434 = arith.constant 0 : i32
      %dma_wait3A_435 = arith.constant 0 : i32
      %dma_wait3A_436 = tpu.memref_slice %arg2[%dma_wait3A_433, %dma_wait3A_434, %dma_wait3A_435] : memref<4x4096x1024xf32, #tpu.memory_space<hbm>> -> memref<1x8x1024xf32, #tpu.memory_space<hbm>>
      %dma_wait3A_437 = tpu.memref_squeeze %dma_wait3A_436 : memref<1x8x1024xf32, #tpu.memory_space<hbm>> -> memref<8x1024xf32, #tpu.memory_space<hbm>>
      %dma_wait3A_438 = arith.constant 0 : i32
      %dma_wait3A_439 = arith.constant 0 : i32
      %dma_wait3A_440 = tpu.memref_slice %arg2[%dma_wait3A_433, %dma_wait3A_438, %dma_wait3A_439] : memref<4x4096x1024xf32, #tpu.memory_space<hbm>> -> memref<1x8x1024xf32, #tpu.memory_space<hbm>>
      %dma_wait3A_441 = tpu.memref_squeeze %dma_wait3A_440 : memref<1x8x1024xf32, #tpu.memory_space<hbm>> -> memref<8x1024xf32, #tpu.memory_space<hbm>>
      tpu.wait_dma2 semaphore(%arg25 : memref<!tpu.dma_semaphore, #tpu.memory_space<semaphore_mem>>) src(%dma_wait3A_441 : memref<8x1024xf32, #tpu.memory_space<hbm>>) dst(%arg15 : memref<8x1024xf32, #tpu.memory_space<vmem>>)
      %parallel_loop3A_442 = arith.constant 0 : i32
      %parallel_loop3A_443 = arith.constant 512 : i32
      %parallel_loop3A_444 = arith.constant 1 : i32
      scf.for %parallel_loop3A_509 = %parallel_loop3A_442 to %parallel_loop3A_443 step %parallel_loop3A_444  : i32 {
        %parallel_loop3A_510 = arith.constant 6 : i32
        %parallel_loop3A_511 = arith.shrui %parallel_loop3A_509, %parallel_loop3A_510 : i32
        %parallel_loop3A_512 = arith.constant 7 : i32
        %parallel_loop3A_513 = arith.andi %parallel_loop3A_511, %parallel_loop3A_512 : i32
        %parallel_loop3A_514 = arith.constant 63 : i32
        %parallel_loop3A_515 = arith.andi %parallel_loop3A_509, %parallel_loop3A_514 : i32
        %parallel_loop3A_516 = arith.constant 16 : i32
        %parallel_loop3A_517 = arith.muli %parallel_loop3A_515, %parallel_loop3A_516 : i32
        %parallel_loop3A_518 = arith.index_cast %parallel_loop3A_513 : i32 to index
        %parallel_loop3A_519 = arith.index_cast %parallel_loop3A_517 : i32 to index
        %parallel_loop3A_520 = tpu.vector_load %arg15[%parallel_loop3A_518, %parallel_loop3A_519] {strides = array<i32>} : memref<8x1024xf32, #tpu.memory_space<vmem>>, vector<1x16xf32>,
        %parallel_loop3A_521 = vector.shape_cast %parallel_loop3A_520 : vector<1x16xf32> to vector<16xf32>
        %parallel_loop3A_522 = arith.index_cast %parallel_loop3A_513 : i32 to index
        %parallel_loop3A_523 = arith.index_cast %parallel_loop3A_517 : i32 to index
        %parallel_loop3A_524 = tpu.vector_load %arg8[%parallel_loop3A_522, %parallel_loop3A_523] {strides = array<i32>} : memref<8x1024xf32, #tpu.memory_space<vmem>>, vector<1x16xf32>,
        %parallel_loop3A_525 = vector.shape_cast %parallel_loop3A_524 : vector<1x16xf32> to vector<16xf32>
        %parallel_loop3A_526 = arith.addf %parallel_loop3A_521, %parallel_loop3A_525 : vector<16xf32>
        %parallel_loop3A_527 = arith.index_cast %parallel_loop3A_513 : i32 to index
        %parallel_loop3A_528 = arith.index_cast %parallel_loop3A_517 : i32 to index
        %parallel_loop3A_529 = tpu.vector_load %arg15[%parallel_loop3A_527, %parallel_loop3A_528] {strides = array<i32>} : memref<8x1024xf32, #tpu.memory_space<vmem>>, vector<1x16xf32>,
        %parallel_loop3A_530 = vector.shape_cast %parallel_loop3A_529 : vector<1x16xf32> to vector<16xf32>
        %parallel_loop3A_531 = vector.shape_cast %parallel_loop3A_526 : vector<16xf32> to vector<1x16xf32>
        tpu.vector_store %arg15[%parallel_loop3A_527, %parallel_loop3A_528], %parallel_loop3A_531 {strides = array<i32>} : memref<8x1024xf32, #tpu.memory_space<vmem>>, vector<1x16xf32>,
      } {sc.loop_unroll_factor = 8 : i64, sc.parallel_access}
      %shift_right_logical3A_445 = arith.constant 2 : i32
      %shift_right_logical3A_446 = arith.shrui %add3A_418, %shift_right_logical3A_445 : i32
      %mul3A_447 = arith.constant 8 : i32
      %mul3A_448 = arith.muli %shift_right_logical3A_446, %mul3A_447 : i32
      %add3A_449 = arith.addi %mul3A_4, %mul3A_448 : i32
      %multiple_of3A_450 = tpu.assume_multiple %add3A_449, 8 : i32
      %dma_start3A_451 = arith.constant 2 : i32
      %dma_start3A_452 = arith.constant 0 : i32
      %dma_start3A_453 = tpu.memref_slice %arg5[%dma_start3A_451, %multiple_of3A_450, %dma_start3A_452] : memref<4x4096x1024xf32, #tpu.memory_space<hbm>> -> memref<1x8x1024xf32, #tpu.memory_space<hbm>>
      %dma_start3A_454 = tpu.memref_squeeze %dma_start3A_453 : memref<1x8x1024xf32, #tpu.memory_space<hbm>> -> memref<8x1024xf32, #tpu.memory_space<hbm>>
      %dma_start3A_455 = arith.constant 0 : i32
      %dma_start3A_456 = tpu.memref_slice %arg5[%dma_start3A_451, %multiple_of3A_450, %dma_start3A_455] : memref<4x4096x1024xf32, #tpu.memory_space<hbm>> -> memref<1x8x1024xf32, #tpu.memory_space<hbm>>
      %dma_start3A_457 = tpu.memref_squeeze %dma_start3A_456 : memref<1x8x1024xf32, #tpu.memory_space<hbm>> -> memref<8x1024xf32, #tpu.memory_space<hbm>>
      tpu.enqueue_dma source(%arg15 : memref<8x1024xf32, #tpu.memory_space<vmem>>) target(%dma_start3A_457 : memref<8x1024xf32, #tpu.memory_space<hbm>>) target_semaphore(%arg33 : memref<!tpu.dma_semaphore, #tpu.memory_space<semaphore_mem>>)
      %mul3A_458 = arith.constant 8 : i32
      %mul3A_459 = arith.muli %scan3A_117, %mul3A_458 : i32
      %add3A_460 = arith.constant 7 : i32
      %add3A_461 = arith.addi %mul3A_459, %add3A_460 : i32
      %dma_wait3A_462 = arith.constant 0 : i32
      %dma_wait3A_463 = arith.constant 0 : i32
      %dma_wait3A_464 = arith.constant 0 : i32
      %dma_wait3A_465 = tpu.memref_slice %arg5[%dma_wait3A_462, %dma_wait3A_463, %dma_wait3A_464] : memref<4x4096x1024xf32, #tpu.memory_space<hbm>> -> memref<1x8x1024xf32, #tpu.memory_space<hbm>>
      %dma_wait3A_466 = tpu.memref_squeeze %dma_wait3A_465 : memref<1x8x1024xf32, #tpu.memory_space<hbm>> -> memref<8x1024xf32, #tpu.memory_space<hbm>>
      %dma_wait3A_467 = arith.constant 0 : i32
      %dma_wait3A_468 = arith.constant 0 : i32
      %dma_wait3A_469 = tpu.memref_slice %arg5[%dma_wait3A_462, %dma_wait3A_467, %dma_wait3A_468] : memref<4x4096x1024xf32, #tpu.memory_space<hbm>> -> memref<1x8x1024xf32, #tpu.memory_space<hbm>>
      %dma_wait3A_470 = tpu.memref_squeeze %dma_wait3A_469 : memref<1x8x1024xf32, #tpu.memory_space<hbm>> -> memref<8x1024xf32, #tpu.memory_space<hbm>>
      tpu.wait_dma2 semaphore(%arg30 : memref<!tpu.dma_semaphore, #tpu.memory_space<semaphore_mem>>) src(%arg12 : memref<8x1024xf32, #tpu.memory_space<vmem>>) dst(%dma_wait3A_470 : memref<8x1024xf32, #tpu.memory_space<hbm>>)
      %lt3A_471 = arith.constant 7 : i32
      %lt3A_472 = arith.cmpi slt, %scan3A_117, %lt3A_471 : i32
      %convert_element_type3A_473 = arith.extui %lt3A_472 : i1 to i32
      %cond3A_474 = arith.constant 0 : i32
      %cond3A_475 = arith.cmpi ne, %convert_element_type3A_473, %cond3A_474 : i32
      scf.if %cond3A_475 {
        %add3A_509 = arith.constant 4 : i32
        %add3A_510 = arith.addi %add3A_461, %add3A_509 : i32
        %shift_right_logical3A_511 = arith.constant 2 : i32
        %shift_right_logical3A_512 = arith.shrui %add3A_510, %shift_right_logical3A_511 : i32
        %mul3A_513 = arith.constant 8 : i32
        %mul3A_514 = arith.muli %shift_right_logical3A_512, %mul3A_513 : i32
        %add3A_515 = arith.addi %mul3A_4, %mul3A_514 : i32
        %multiple_of3A_516 = tpu.assume_multiple %add3A_515, 8 : i32
        %dma_start3A_517 = arith.constant 3 : i32
        %dma_start3A_518 = arith.constant 0 : i32
        %dma_start3A_519 = tpu.memref_slice %arg2[%dma_start3A_517, %multiple_of3A_516, %dma_start3A_518] : memref<4x4096x1024xf32, #tpu.memory_space<hbm>> -> memref<1x8x1024xf32, #tpu.memory_space<hbm>>
        %dma_start3A_520 = tpu.memref_squeeze %dma_start3A_519 : memref<1x8x1024xf32, #tpu.memory_space<hbm>> -> memref<8x1024xf32, #tpu.memory_space<hbm>>
        %dma_start3A_521 = arith.constant 0 : i32
        %dma_start3A_522 = tpu.memref_slice %arg2[%dma_start3A_517, %multiple_of3A_516, %dma_start3A_521] : memref<4x4096x1024xf32, #tpu.memory_space<hbm>> -> memref<1x8x1024xf32, #tpu.memory_space<hbm>>
        %dma_start3A_523 = tpu.memref_squeeze %dma_start3A_522 : memref<1x8x1024xf32, #tpu.memory_space<hbm>> -> memref<8x1024xf32, #tpu.memory_space<hbm>>
        tpu.enqueue_dma source(%dma_start3A_523 : memref<8x1024xf32, #tpu.memory_space<hbm>>) target(%arg12 : memref<8x1024xf32, #tpu.memory_space<vmem>>) target_semaphore(%arg22 : memref<!tpu.dma_semaphore, #tpu.memory_space<semaphore_mem>>)
      } else {
      }
      %dma_wait3A_476 = arith.constant 0 : i32
      %dma_wait3A_477 = arith.constant 0 : i32
      %dma_wait3A_478 = arith.constant 0 : i32
      %dma_wait3A_479 = tpu.memref_slice %arg2[%dma_wait3A_476, %dma_wait3A_477, %dma_wait3A_478] : memref<4x4096x1024xf32, #tpu.memory_space<hbm>> -> memref<1x8x1024xf32, #tpu.memory_space<hbm>>
      %dma_wait3A_480 = tpu.memref_squeeze %dma_wait3A_479 : memref<1x8x1024xf32, #tpu.memory_space<hbm>> -> memref<8x1024xf32, #tpu.memory_space<hbm>>
      %dma_wait3A_481 = arith.constant 0 : i32
      %dma_wait3A_482 = arith.constant 0 : i32
      %dma_wait3A_483 = tpu.memref_slice %arg2[%dma_wait3A_476, %dma_wait3A_481, %dma_wait3A_482] : memref<4x4096x1024xf32, #tpu.memory_space<hbm>> -> memref<1x8x1024xf32, #tpu.memory_space<hbm>>
      %dma_wait3A_484 = tpu.memref_squeeze %dma_wait3A_483 : memref<1x8x1024xf32, #tpu.memory_space<hbm>> -> memref<8x1024xf32, #tpu.memory_space<hbm>>
      tpu.wait_dma2 semaphore(%arg26 : memref<!tpu.dma_semaphore, #tpu.memory_space<semaphore_mem>>) src(%dma_wait3A_484 : memref<8x1024xf32, #tpu.memory_space<hbm>>) dst(%arg16 : memref<8x1024xf32, #tpu.memory_space<vmem>>)
      %parallel_loop3A_485 = arith.constant 0 : i32
      %parallel_loop3A_486 = arith.constant 512 : i32
      %parallel_loop3A_487 = arith.constant 1 : i32
      scf.for %parallel_loop3A_509 = %parallel_loop3A_485 to %parallel_loop3A_486 step %parallel_loop3A_487  : i32 {
        %parallel_loop3A_510 = arith.constant 6 : i32
        %parallel_loop3A_511 = arith.shrui %parallel_loop3A_509, %parallel_loop3A_510 : i32
        %parallel_loop3A_512 = arith.constant 7 : i32
        %parallel_loop3A_513 = arith.andi %parallel_loop3A_511, %parallel_loop3A_512 : i32
        %parallel_loop3A_514 = arith.constant 63 : i32
        %parallel_loop3A_515 = arith.andi %parallel_loop3A_509, %parallel_loop3A_514 : i32
        %parallel_loop3A_516 = arith.constant 16 : i32
        %parallel_loop3A_517 = arith.muli %parallel_loop3A_515, %parallel_loop3A_516 : i32
        %parallel_loop3A_518 = arith.index_cast %parallel_loop3A_513 : i32 to index
        %parallel_loop3A_519 = arith.index_cast %parallel_loop3A_517 : i32 to index
        %parallel_loop3A_520 = tpu.vector_load %arg16[%parallel_loop3A_518, %parallel_loop3A_519] {strides = array<i32>} : memref<8x1024xf32, #tpu.memory_space<vmem>>, vector<1x16xf32>,
        %parallel_loop3A_521 = vector.shape_cast %parallel_loop3A_520 : vector<1x16xf32> to vector<16xf32>
        %parallel_loop3A_522 = arith.index_cast %parallel_loop3A_513 : i32 to index
        %parallel_loop3A_523 = arith.index_cast %parallel_loop3A_517 : i32 to index
        %parallel_loop3A_524 = tpu.vector_load %arg8[%parallel_loop3A_522, %parallel_loop3A_523] {strides = array<i32>} : memref<8x1024xf32, #tpu.memory_space<vmem>>, vector<1x16xf32>,
        %parallel_loop3A_525 = vector.shape_cast %parallel_loop3A_524 : vector<1x16xf32> to vector<16xf32>
        %parallel_loop3A_526 = arith.addf %parallel_loop3A_521, %parallel_loop3A_525 : vector<16xf32>
        %parallel_loop3A_527 = arith.index_cast %parallel_loop3A_513 : i32 to index
        %parallel_loop3A_528 = arith.index_cast %parallel_loop3A_517 : i32 to index
        %parallel_loop3A_529 = tpu.vector_load %arg16[%parallel_loop3A_527, %parallel_loop3A_528] {strides = array<i32>} : memref<8x1024xf32, #tpu.memory_space<vmem>>, vector<1x16xf32>,
        %parallel_loop3A_530 = vector.shape_cast %parallel_loop3A_529 : vector<1x16xf32> to vector<16xf32>
        %parallel_loop3A_531 = vector.shape_cast %parallel_loop3A_526 : vector<16xf32> to vector<1x16xf32>
        tpu.vector_store %arg16[%parallel_loop3A_527, %parallel_loop3A_528], %parallel_loop3A_531 {strides = array<i32>} : memref<8x1024xf32, #tpu.memory_space<vmem>>, vector<1x16xf32>,
      } {sc.loop_unroll_factor = 8 : i64, sc.parallel_access}
      %shift_right_logical3A_488 = arith.constant 2 : i32
      %shift_right_logical3A_489 = arith.shrui %add3A_461, %shift_right_logical3A_488 : i32
      %mul3A_490 = arith.constant 8 : i32
      %mul3A_491 = arith.muli %shift_right_logical3A_489, %mul3A_490 : i32
      %add3A_492 = arith.addi %mul3A_4, %mul3A_491 : i32
      %multiple_of3A_493 = tpu.assume_multiple %add3A_492, 8 : i32
      %dma_start3A_494 = arith.constant 3 : i32
      %dma_start3A_495 = arith.constant 0 : i32
      %dma_start3A_496 = tpu.memref_slice %arg5[%dma_start3A_494, %multiple_of3A_493, %dma_start3A_495] : memref<4x4096x1024xf32, #tpu.memory_space<hbm>> -> memref<1x8x1024xf32, #tpu.memory_space<hbm>>
      %dma_start3A_497 = tpu.memref_squeeze %dma_start3A_496 : memref<1x8x1024xf32, #tpu.memory_space<hbm>> -> memref<8x1024xf32, #tpu.memory_space<hbm>>
      %dma_start3A_498 = arith.constant 0 : i32
      %dma_start3A_499 = tpu.memref_slice %arg5[%dma_start3A_494, %multiple_of3A_493, %dma_start3A_498] : memref<4x4096x1024xf32, #tpu.memory_space<hbm>> -> memref<1x8x1024xf32, #tpu.memory_space<hbm>>
      %dma_start3A_500 = tpu.memref_squeeze %dma_start3A_499 : memref<1x8x1024xf32, #tpu.memory_space<hbm>> -> memref<8x1024xf32, #tpu.memory_space<hbm>>
      tpu.enqueue_dma source(%arg16 : memref<8x1024xf32, #tpu.memory_space<vmem>>) target(%dma_start3A_500 : memref<8x1024xf32, #tpu.memory_space<hbm>>) target_semaphore(%arg34 : memref<!tpu.dma_semaphore, #tpu.memory_space<semaphore_mem>>)
      %add3A_501 = arith.constant 2 : i32
      %add3A_502 = arith.addi %shift_right_logical3A_489, %add3A_501 : i32
      %lt3A_503 = arith.constant 16 : i32
      %lt3A_504 = arith.cmpi slt, %add3A_502, %lt3A_503 : i32
      %convert_element_type3A_505 = arith.extui %lt3A_504 : i1 to i32
      %cond3A_506 = arith.constant 0 : i32
      %cond3A_507 = arith.cmpi ne, %convert_element_type3A_505, %cond3A_506 : i32
      scf.if %cond3A_507 {
        %add3A_509 = arith.constant 2 : i32
        %add3A_510 = arith.addi %shift_right_logical3A_489, %add3A_509 : i32
        %mul3A_511 = arith.constant 8 : i32
        %mul3A_512 = arith.muli %add3A_510, %mul3A_511 : i32
        %add3A_513 = arith.addi %mul3A_4, %mul3A_512 : i32
        %multiple_of3A_514 = tpu.assume_multiple %add3A_513, 8 : i32
        %add3A_515 = arith.addi %squeeze3A, %multiple_of3A_514 : i32
        %multiple_of3A_516 = tpu.assume_multiple %add3A_515, 8 : i32
        %dma_start3A_517 = arith.constant 0 : i32
        %dma_start3A_518 = tpu.memref_slice %arg3[%multiple_of3A_516, %dma_start3A_517] : memref<8192x1024xf32, #tpu.memory_space<hbm>> -> memref<8x1024xf32, #tpu.memory_space<hbm>>
        %dma_start3A_519 = arith.constant 0 : i32
        %dma_start3A_520 = tpu.memref_slice %arg3[%multiple_of3A_516, %dma_start3A_519] : memref<8192x1024xf32, #tpu.memory_space<hbm>> -> memref<8x1024xf32, #tpu.memory_space<hbm>>
        tpu.enqueue_dma source(%dma_start3A_520 : memref<8x1024xf32, #tpu.memory_space<hbm>>) target(%arg8 : memref<8x1024xf32, #tpu.memory_space<vmem>>) target_semaphore(%arg18 : memref<!tpu.dma_semaphore, #tpu.memory_space<semaphore_mem>>)
      } else {
      }
      %scan3A_508 = arith.constant 0 : i32
      scf.yield %scan3A_508 : i32
    }
    %scan3A_81 = arith.constant 8 : i32
    %dma_wait3A = arith.constant 0 : i32
    %dma_wait3A_82 = arith.constant 0 : i32
    %dma_wait3A_83 = arith.constant 0 : i32
    %dma_wait3A_84 = tpu.memref_slice %arg5[%dma_wait3A, %dma_wait3A_82, %dma_wait3A_83] : memref<4x4096x1024xf32, #tpu.memory_space<hbm>> -> memref<1x8x1024xf32, #tpu.memory_space<hbm>>
    %dma_wait3A_85 = tpu.memref_squeeze %dma_wait3A_84 : memref<1x8x1024xf32, #tpu.memory_space<hbm>> -> memref<8x1024xf32, #tpu.memory_space<hbm>>
    %dma_wait3A_86 = arith.constant 0 : i32
    %dma_wait3A_87 = arith.constant 0 : i32
    %dma_wait3A_88 = tpu.memref_slice %arg5[%dma_wait3A, %dma_wait3A_86, %dma_wait3A_87] : memref<4x4096x1024xf32, #tpu.memory_space<hbm>> -> memref<1x8x1024xf32, #tpu.memory_space<hbm>>
    %dma_wait3A_89 = tpu.memref_squeeze %dma_wait3A_88 : memref<1x8x1024xf32, #tpu.memory_space<hbm>> -> memref<8x1024xf32, #tpu.memory_space<hbm>>
    tpu.wait_dma2 semaphore(%arg31 : memref<!tpu.dma_semaphore, #tpu.memory_space<semaphore_mem>>) src(%arg13 : memref<8x1024xf32, #tpu.memory_space<vmem>>) dst(%dma_wait3A_89 : memref<8x1024xf32, #tpu.memory_space<hbm>>)
    %dma_wait3A_90 = arith.constant 0 : i32
    %dma_wait3A_91 = arith.constant 0 : i32
    %dma_wait3A_92 = arith.constant 0 : i32
    %dma_wait3A_93 = tpu.memref_slice %arg5[%dma_wait3A_90, %dma_wait3A_91, %dma_wait3A_92] : memref<4x4096x1024xf32, #tpu.memory_space<hbm>> -> memref<1x8x1024xf32, #tpu.memory_space<hbm>>
    %dma_wait3A_94 = tpu.memref_squeeze %dma_wait3A_93 : memref<1x8x1024xf32, #tpu.memory_space<hbm>> -> memref<8x1024xf32, #tpu.memory_space<hbm>>
    %dma_wait3A_95 = arith.constant 0 : i32
    %dma_wait3A_96 = arith.constant 0 : i32
    %dma_wait3A_97 = tpu.memref_slice %arg5[%dma_wait3A_90, %dma_wait3A_95, %dma_wait3A_96] : memref<4x4096x1024xf32, #tpu.memory_space<hbm>> -> memref<1x8x1024xf32, #tpu.memory_space<hbm>>
    %dma_wait3A_98 = tpu.memref_squeeze %dma_wait3A_97 : memref<1x8x1024xf32, #tpu.memory_space<hbm>> -> memref<8x1024xf32, #tpu.memory_space<hbm>>
    tpu.wait_dma2 semaphore(%arg32 : memref<!tpu.dma_semaphore, #tpu.memory_space<semaphore_mem>>) src(%arg14 : memref<8x1024xf32, #tpu.memory_space<vmem>>) dst(%dma_wait3A_98 : memref<8x1024xf32, #tpu.memory_space<hbm>>)
    %dma_wait3A_99 = arith.constant 0 : i32
    %dma_wait3A_100 = arith.constant 0 : i32
    %dma_wait3A_101 = arith.constant 0 : i32
    %dma_wait3A_102 = tpu.memref_slice %arg5[%dma_wait3A_99, %dma_wait3A_100, %dma_wait3A_101] : memref<4x4096x1024xf32, #tpu.memory_space<hbm>> -> memref<1x8x1024xf32, #tpu.memory_space<hbm>>
    %dma_wait3A_103 = tpu.memref_squeeze %dma_wait3A_102 : memref<1x8x1024xf32, #tpu.memory_space<hbm>> -> memref<8x1024xf32, #tpu.memory_space<hbm>>
    %dma_wait3A_104 = arith.constant 0 : i32
    %dma_wait3A_105 = arith.constant 0 : i32
    %dma_wait3A_106 = tpu.memref_slice %arg5[%dma_wait3A_99, %dma_wait3A_104, %dma_wait3A_105] : memref<4x4096x1024xf32, #tpu.memory_space<hbm>> -> memref<1x8x1024xf32, #tpu.memory_space<hbm>>
    %dma_wait3A_107 = tpu.memref_squeeze %dma_wait3A_106 : memref<1x8x1024xf32, #tpu.memory_space<hbm>> -> memref<8x1024xf32, #tpu.memory_space<hbm>>
    tpu.wait_dma2 semaphore(%arg33 : memref<!tpu.dma_semaphore, #tpu.memory_space<semaphore_mem>>) src(%arg15 : memref<8x1024xf32, #tpu.memory_space<vmem>>) dst(%dma_wait3A_107 : memref<8x1024xf32, #tpu.memory_space<hbm>>)
    %dma_wait3A_108 = arith.constant 0 : i32
    %dma_wait3A_109 = arith.constant 0 : i32
    %dma_wait3A_110 = arith.constant 0 : i32
    %dma_wait3A_111 = tpu.memref_slice %arg5[%dma_wait3A_108, %dma_wait3A_109, %dma_wait3A_110] : memref<4x4096x1024xf32, #tpu.memory_space<hbm>> -> memref<1x8x1024xf32, #tpu.memory_space<hbm>>
    %dma_wait3A_112 = tpu.memref_squeeze %dma_wait3A_111 : memref<1x8x1024xf32, #tpu.memory_space<hbm>> -> memref<8x1024xf32, #tpu.memory_space<hbm>>
    %dma_wait3A_113 = arith.constant 0 : i32
    %dma_wait3A_114 = arith.constant 0 : i32
    %dma_wait3A_115 = tpu.memref_slice %arg5[%dma_wait3A_108, %dma_wait3A_113, %dma_wait3A_114] : memref<4x4096x1024xf32, #tpu.memory_space<hbm>> -> memref<1x8x1024xf32, #tpu.memory_space<hbm>>
    %dma_wait3A_116 = tpu.memref_squeeze %dma_wait3A_115 : memref<1x8x1024xf32, #tpu.memory_space<hbm>> -> memref<8x1024xf32, #tpu.memory_space<hbm>>
    tpu.wait_dma2 semaphore(%arg34 : memref<!tpu.dma_semaphore, #tpu.memory_space<semaphore_mem>>) src(%arg16 : memref<8x1024xf32, #tpu.memory_space<vmem>>) dst(%dma_wait3A_116 : memref<8x1024xf32, #tpu.memory_space<hbm>>)
    return
  }
}

</mosaic_0001>

<sc_bundles>
// kernel: kernel.3.cloned.1.call-start
scs
__scs_entry_jumppad:
0x0: {  	(pc) =	sbr.rel $0x88, $3  }
0x1: {  	(tag) =	ssettag $0x0;
	lr =	simm.s32 $0x1  }
0x2: {  	[smem:$0x3F9E] =	sst lr;
	_ =	strace $0xD0000000  }
0x3: {  	_ = 	snop  }
0x4: {  	_ = 	snop  }
0x5: {  	_ = 	snop  }
0x6: {  	_ = 	snop  }
0x7: {  	_ = 	snop  }
__scs_overlays_trampoline_lowered:
0x8: {  	[smem:$0x3FAD] =	sst s0  }
0x9: {  	[smem:$0x3FAE] =	sst s1  }
0xa: {  	[smem:$0x3FAF] =	sst s2  }
0xb: {  	[smem:$0x3FB0] =	sst s3  }
0xc: {  	[smem:$0x3FB1] =	sst s4  }
0xd: {  	[smem:$0x3FB2] =	sst s5  }
0xe: {  	[smem:$0x3FB3] =	sst s6  }
0xf: {  	[smem:$0x3FB4] =	sst s7  }
0x10: {  	[smem:$0x3FB5] =	sst s8  }
0x11: {  	[smem:$0x3FB6] =	sst s9;
	s0 =	simm.s32 @!p0 $0x0  }
0x12: {  	s1 =	sld [smem:$0x3F9C];
	s0 =	simm.s32 @p0 $0x1  }
0x13: {  	[smem:$0x3FB7] =	sst s0;
	s0 =	simm.s32 @!p1 $0x0  }
0x14: {  	s2 =	sld [smem:$0x3F9B];
	s0 =	simm.s32 @p1 $0x1  }
0x15: {  	[smem:$0x3FB8] =	sst s0;
	s0 =	simm.s32 @!p2 $0x0  }
0x16: {  	s3 =	sld [smem:$0x3FDB];
	s0 =	simm.s32 @p2 $0x1  }
0x17: {  	s4 =	simm.s32 $0x1BF5;
	[smem:$0x3FBA] =	sst s0  }
0x18: {  	s0 =	sld [smem:$0x3F9D];
	_ =	swait.ge [sflag:s4], $0x0  }
0x19: {  	s7 =	sld [smem:$0x3F9E]  }
0x1a: {  	s8 =	sadd.s32 $0xFFFFE003, lr  }
0x1b: {  	s9 =	sadd.s32 $0xFFFFFEF7, lr;
	s5 =	simm.s32 $0xFFFFFFFF;
	p2 =	slt.u32 s8, $0xFFFFF086  }
0x1c: {  	p1 =	slt.u32 s9, $0xF7A;
	s5 =	simm.s32 @!p2 $0x0  }
0x1d: {  	s5 =	simm.s32 @p1 $0x1;
	p0 =	seq.s32 s7, s2  }
0x1e: {  	s7 =	smul.u32 @!p0 $0xF7A, s2;
	p2 =	seq.s32 @!p0 s5, $0x0  }
0x1f: {  	s9 =	smul.u32 $0xF7A, s1;
	s8 =	simm.s32 @!p0 $0x1BF5;
	p2 =	por !p2, p0  }
0x20: {  	[sflag:s8] =	ssyncset.s32 @!p0 $0xFFFFF086;
	s6 =	sadd.s32 @!p0 s3, s7;
	s7 =	simm.s32 @!p0 $0x108  }
0x21: {  	s3 =	sadd.s32 s3, s9;
	s6 =	sadd.s32 @!p0 $0x88, s6;
	s7 =	simm.s32 @p2 $0x1082  }
0x22: {  	[simem:s7], [sflag:s8] =	dma.local @!p0 [hbm:s6], $0xF7A  }
0x23: {  	s9 =	sor.u32 $0xD0000000, s2;
	s6 =	simm.s32 $0x108;
	_ =	swait.ge @!p0 [sflag:s8], $0x0  }
0x24: {  	s3 =	sadd.s32 $0x88, s3;
	s6 =	simm.s32 @!p1 $0x1082;
	[sflag:s4] =	ssyncset.s32 $0xFFFFF086  }
0x25: {  	[simem:s6], [sflag:s4] =	dma.local [hbm:s3], $0xF7A  }
0x26: {  	[smem:$0x3F9E] =	sst s1;
	(tag) =	ssettag s2;
	_ =	strace s9  }
0x27: {  	s1 =	sld [smem:$0x3FAE]  }
0x28: {  	s2 =	sld [smem:$0x3FAF]  }
0x29: {  	s4 =	sld [smem:$0x3FB1]  }
0x2a: {  	p0 =	seq.s32 s5, $0x0;
	s5 =	sld [smem:$0x3FB2]  }
0x2b: {  	s6 =	sld [smem:$0x3FB3]  }
0x2c: {  	s7 =	sld [smem:$0x3FB4]  }
0x2d: {  	s3 =	simm.s32 $0x108;
	s8 =	sld [smem:$0x3FB5]  }
0x2e: {  	s3 =	simm.s32 @!p0 $0x1082;
	s9 =	sld [smem:$0x3FB6]  }
0x2f: {  	lr =	sadd.s32 s0, s3;
	s0 =	sld [smem:$0x3FAD]  }
0x30: {  	s3 =	sld [smem:$0x3FB0]  }
0x31: {  	[smem:$0x3FB9] =	sst s10  }
0x32: {  	s10 =	sld [smem:$0x3FB7];
	_ =	sdelay $0x3  }
0x33: {  	p0 =	seq.s32 s10, $0x1;
	s10 =	sld [smem:$0x3FB9];
	_ =	sdelay $0x3  }
0x34: {  	[smem:$0x3FB9] =	sst s10  }
0x35: {  	s10 =	sld [smem:$0x3FB8];
	_ =	sdelay $0x3  }
0x36: {  	p1 =	seq.s32 s10, $0x1;
	s10 =	sld [smem:$0x3FB9];
	_ =	sdelay $0x3  }
0x37: {  	[smem:$0x3FB9] =	sst s10  }
0x38: {  	s10 =	sld [smem:$0x3FBA]  }
0x39: {  	_ = 	snop;
	(pc) =	sbr.ind lr, $3  }
0x3a: {  	_ = 	snop  }
0x3b: {  	_ = 	snop  }
0x3c: {  	p2 =	seq.s32 s10, $0x1;
	s10 =	sld [smem:$0x3FB9]  }
0x3d: {  	_ =	shalt  }
0x3e: {  	_ =	shalt  }
0x3f: {  	_ =	shalt  }
0x40: {  	_ =	shalt  }
0x41: {  	_ =	shalt  }
0x42: {  	_ =	shalt  }
0x43: {  	_ =	shalt  }
0x44: {  	_ =	shalt  }
0x45: {  	_ =	shalt  }
0x46: {  	_ =	shalt  }
0x47: {  	_ =	shalt  }
0x48: {  	_ =	shalt  }
0x49: {  	_ =	shalt  }
0x4a: {  	_ =	shalt  }
0x4b: {  	_ =	shalt  }
0x4c: {  	_ =	shalt  }
0x4d: {  	_ =	shalt  }
0x4e: {  	_ =	shalt  }
0x4f: {  	_ =	shalt  }
0x50: {  	_ =	shalt  }
0x51: {  	_ =	shalt  }
0x52: {  	_ =	shalt  }
0x53: {  	_ =	shalt  }
0x54: {  	_ =	shalt  }
0x55: {  	_ =	shalt  }
0x56: {  	_ =	shalt  }
0x57: {  	_ =	shalt  }
0x58: {  	_ =	shalt  }
0x59: {  	_ =	shalt  }
0x5a: {  	_ =	shalt  }
0x5b: {  	_ =	shalt  }
0x5c: {  	_ =	shalt  }
0x5d: {  	_ =	shalt  }
0x5e: {  	_ =	shalt  }
0x5f: {  	_ =	shalt  }
0x60: {  	_ =	shalt  }
0x61: {  	_ =	shalt  }
0x62: {  	_ =	shalt  }
0x63: {  	_ =	shalt  }
0x64: {  	_ =	shalt  }
0x65: {  	_ =	shalt  }
0x66: {  	_ =	shalt  }
0x67: {  	_ =	shalt  }
0x68: {  	_ =	shalt  }
0x69: {  	_ =	shalt  }
0x6a: {  	_ =	shalt  }
0x6b: {  	_ =	shalt  }
0x6c: {  	_ =	shalt  }
0x6d: {  	_ =	shalt  }
0x6e: {  	_ =	shalt  }
0x6f: {  	_ =	shalt  }
0x70: {  	_ =	shalt  }
0x71: {  	_ =	shalt  }
0x72: {  	_ =	shalt  }
0x73: {  	_ =	shalt  }
0x74: {  	_ =	shalt  }
0x75: {  	_ =	shalt  }
0x76: {  	_ =	shalt  }
0x77: {  	_ =	shalt  }
0x78: {  	_ =	shalt  }
0x79: {  	_ =	shalt  }
0x7a: {  	_ =	shalt  }
0x7b: {  	_ =	shalt  }
0x7c: {  	_ =	shalt  }
0x7d: {  	_ =	shalt  }
0x7e: {  	_ =	shalt  }
0x7f: {  	_ =	shalt  }
0x80: {  	_ =	shalt  }
0x81: {  	_ =	shalt  }
0x82: {  	_ =	shalt  }
0x83: {  	_ =	shalt  }
0x84: {  	_ =	shalt  }
0x85: {  	_ =	shalt  }
0x86: {  	_ =	shalt  }
0x87: {  	_ =	shalt  }
.Lfunc_end0:
.L_simem_size_0:
called_computation_lowered:
.L_overlay_start_0:
0x88: {  	s2 =	sld [smem:$0x3FD9]  }
0x89: {  	s3 =	sld [smem:$0x3FFE];
	_ =	sdelay $0x1  }
0x8a: {  	s1 =	srdreg.scid  }
0x8b: {  	s0 =	sand.u32 $0x1, s1  }
0x8c: {  	s17 =	sshll.u32 s0, $0xA;
	s2 =	sadd.s32 s3, s2  }
0x8d: {  	s2 =	sadd.s32 s2, s17  }
0x8e: {  	[smem:$0x3FC5] =	sst s2  }
0x8f: {  	_ = 	snop  }
0x90: {  	s2 =	sld [smem:$0x3FC9]  }
0x91: {  	s18 =	sld [smem:$0x3FC8]  }
0x92: {  	s4 =	sld [smem:$0x3FD0];
	(tm) =	ssettm $0x1  }
0x93: {  	s5 =	sld [smem:$0x3FFB];
	_ =	sdelay $0x3  }
0x94: {  	_ =	strace s5  }
0x95: {  	s5 =	sld [smem:$0x3FFC];
	_ =	sdelay $0x3  }
0x96: {  	_ =	strace s5  }
0x97: {  	s5 =	sld [smem:$0x3FFD];
	_ =	sdelay $0x3  }
0x98: {  	_ =	strace s5  }
0x99: {  	_ =	strace $0x8FFFFFFF  }
0x9a: {  	s19 =	sld [smem:$0x3FDB];
	_ =	sdelay $0x1  }
0x9b: {  	s6 =	simm.s32 $_scs_section_size  }
0x9c: {  	s7 =	simm.s32 $_size__tile_overlayer_lowered;
	s8 =	simm.s32 $_tile_overlayer_lowered  }
0x9d: {  	s22 =	simm.s32 $0x1BFF;
	s21 =	sshll.u32 s8, $0x1;
	s5 =	sadd.s32 s6, s19  }
0x9e: {  	s9 =	simm.s32 $0x0;
	s20 =	sshll.u32 s7, $0x1;
	s7 =	sadd.s32 s21, s5  }
0x9f: {  	[timem:s9], [sflag:s22] =	dma.local [hbm:s7], s20  }
0xa0: {  	_ =	swait.ge [sflag:s22], s20  }
0xa1: {  	s6 =	ssub.s32 $0x0, s20;
	[sflag:s22] =	ssyncset.done $0x0  }
0xa2: {  	[sflag:s22] =	ssyncadd.s32 s6;
	_ =	sdelay $0x1  }
0xa3: {  	s23 =	simm.s32 $0x1B8B  }
0xa4: {  	_ =	swait.ge [sflag:s23], $0x1  }
0xa5: {  	[sflag:s23] =	ssyncset.done $0x0  }
0xa6: {  	s25 =	simm.s32 $0x1B8E;
	s24 =	sld [smem:$0x3FFE];
	[sflag:s23] =	ssyncadd.s32 $0xFFFFFFFF  }
0xa7: {  	s26 =	simm.s32 $execute0_lowered;
	[smem:$0x3FD2] =	sst s25  }
0xa8: {  	s7 =	sshll.u32 s26, $0x1;
	_ =	strace $0x80000046;
	[dreg:$0x1] =	wrdreg $0xFFFFFFFF  }
0xa9: {  	s28 =	simm.s32 $_size_execute0_lowered;
	s5 =	sadd.s32 s5, s7;
	[dreg:$0x0] =	wrdreg $0x0  }
0xaa: {  	s7 =	sshll.u32 s28, $0x1;
	[dreg:$0x2] =	wrdreg s5  }
0xab: {  	[dreg:$0x3] =	wrdreg s7  }
0xac: {  	[dreg:$0x4] =	wrdreg $0xC0  }
0xad: {  	_ =	task [dreg:s9], $0x5FFFF  }
0xae: {  	[dreg:$0x1] =	wrdreg $0xFFFFFFFF  }
0xaf: {  	[dreg:$0x0] =	wrdreg $0x60  }
0xb0: {  	[dreg:$0x2] =	wrdreg s2  }
0xb1: {  	[dreg:$0x3] =	wrdreg s18  }
0xb2: {  	[dreg:$0x4] =	wrdreg s24  }
0xb3: {  	[dreg:$0x5] =	wrdreg s4  }
0xb4: {  	[dreg:$0x6] =	wrdreg $0x9  }
0xb5: {  	_ =	task.clear_ibuf [dreg:s9], $0x7FFFF;
	_ =	strace $0x90000046  }
0xb6: {  	s29 =	simm.s32 $0x9;
	_ =	strace $0x80000048  }
0xb7: {  	_ =	swait.ge [sflag:s29], $0x1  }
0xb8: {  	[sflag:s29] =	ssyncadd.s32 $0xFFFFFFFF  }
0xb9: {  	_ =	strace $0x90000048  }
0xba: {  	_ =	sfence  }
0xbb: {  	s30 =	sld [smem:$0x0];
	_ =	sdelay $0x2  }
0xbc: {  	s31 =	sshll.u32 s1, $0xD;
	s1 =	sshrl.u32 s1, $0x2  }
0xbd: {  	s3 =	sand.u32 $0x4000, s31;
	s1 =	sadd.s32 s1, s30  }
0xbe: {  	s0 =	sor.u32 s3, s0;
	s1 =	sshll.u32 s1, $0x11  }
0xbf: {  	s0 =	sor.u32 s1, s0  }
0xc0: {  	s0 =	sadd.s32 $0x8F2B, s0  }
0xc1: {  	[sflag:s0] =	ssyncadd.remote.s32 $0x1  }
0xc2: {  	_ =	sfence.sel $0xFFFF  }
0xc3: {  	[dreg:$0x0] =	wrdreg $0xFFFFFFFF;
	(pc) =	sbr.abs _section_cstart, $3  }
0xc4: {  	[dreg:$0x1] =	wrdreg $0xFFFFFFFF  }
0xc5: {  	_ =	task.clear_ibuf [dreg:s9], $0x2FFFF;
	_ =	strace $0x9FFFFFFF  }
0xc6: {  	(tm) =	ssettm $0x7FFFFFFF  }
0xc7: {  	_ =	shalt  }
tec
execute0_lowered:
.L_overlay_start_1:
0x0: {  	(tag) =	ssettag $0x1  }
0x1: {  	s1 =	rddreg [dreg:$0x0]  }
0x2: {  	s0 =	rddreg [dreg:$0x2]  }
0x3: {  	s3 =	rddreg [dreg:$0x3]  }
0x4: {  	s5 =	simm.s32 $0x0;
	s2 =	srdreg.scid;
	s6 =	stileid.u32  }
0x5: {  	s8 =	simm.s32 $0x4;
	s13 =	simm.s32 $0x5;
	s28 =	simm.s32 $0x9  }
0x6: {  	s29 =	simm.s32 $0xE;
	[smem:$0x7FF] =	sst s5;
	s0 =	sadd.s32 $0x400, s0  }
0x7: {  	s20 =	sadd.s32 $0x80000, s1;
	_ =	strace $0x80000047;
	[dreg:$0x5] =	wrdreg s0  }
0x8: {  	s30 =	simm.s32 $0xA;
	s7 =	sadd.s32 $0x100000, s1;
	[dreg:$0xa] =	wrdreg s20  }
0x9: {  	s2 =	sand.u32 $0x1, s2;
	s22 =	sadd.s32 $0x180000, s1;
	[dreg:$0xb] =	wrdreg s7  }
0xa: {  	s6 =	sshll.u32 s6, $0x8;
	s23 =	sadd.s32 $0x80000, s3;
	[dreg:$0xe] =	wrdreg s22  }
0xb: {  	s24 =	sadd.s32 $0x100000, s3;
	s25 =	sadd.s32 $0x180000, s3;
	[dreg:$0x10] =	wrdreg s23  }
0xc: {  	s4 =	ssub.s32 $0x2, s2;
	s2 =	sshll.u32 s2, $0x7;
	[dreg:$0x11] =	wrdreg s24  }
0xd: {  	[dreg:$0x12] =	wrdreg s25;
	s23 =	simm.s32 $0xC080;
	s2 =	sor.u32 s2, s6  }
0xe: {  	s25 =	simm.s32 $0x3;
	s17 =	sor.u32 $0x8, s2;
	[dreg:$0x6] =	wrdreg s2  }
0xf: {  	s16 =	sshrl.u32 s4, $0x1;
	s26 =	sor.u32 $0x10, s2;
	[dreg:$0x7] =	wrdreg s17  }
0x10: {  	s18 =	sshll.u32 s2, $0x7;
	s2 =	sor.u32 $0x18, s2;
	[dreg:$0x13] =	wrdreg s26  }
0x11: {  	s24 =	simm.s32 $0x8;
	s0 =	ssub.s32 s4, s16;
	[dreg:$0x14] =	wrdreg s2  }
0x12: {  	s16 =	simm.s32 $0x6;
	s19 =	sadd.s32 s1, s18;
	[dreg:$0x8] =	wrdreg s18  }
0x13: {  	s6 =	sadd.s32 s18, s20;
	s21 =	sadd.s32 s18, s7;
	[dreg:$0x9] =	wrdreg s19  }
.Ltmp0:
0x14: {  	s0 =	smax.u32 s0, $0x1;
	[dreg:$0xc] =	wrdreg s6;
	(pc) =	sbr.rel .LBB2_1-.Ltmp0, $4  }
0x15: {  	s31 =	sor.u32 $0x180400, s18;
	s20 =	simm.s32 $0xE080;
	[dreg:$0xd] =	wrdreg s21  }
0x16: {  	s26 =	simm.s32 $0xD;
	s6 =	sadd.s32 s18, s22;
	[dreg:$0x15] =	wrdreg s0  }
0x17: {  	[dreg:$0x16] =	wrdreg s31;
	s0 =	simm.s32 $0x1;
	s21 =	simm.s32 $0x7  }
0x18: {  	s22 =	simm.s32 $0xC;
	[dreg:$0xf] =	wrdreg s6;
	s6 =	simm.s32 $0x0  }
.LBB2_20:
0x19: {  	s2 =	simm.s32 $0xF  }
0x1a: {  	_ =	swait.ge [sflag:s2], $0x2000  }
0x1b: {  	[sflag:s2] =	ssyncset.done $0x0  }
0x1c: {  	s18 =	simm.s32 $0x10;
	[sflag:s2] =	ssyncadd.s32 $0xFFFFE000  }
0x1d: {  	_ =	swait.ge [sflag:s18], $0x2000  }
0x1e: {  	[sflag:s18] =	ssyncset.done $0x0  }
0x1f: {  	s19 =	simm.s32 $0x11;
	[sflag:s18] =	ssyncadd.s32 $0xFFFFE000  }
0x20: {  	_ =	swait.ge [sflag:s19], $0x2000  }
0x21: {  	[sflag:s19] =	ssyncset.done $0x0  }
0x22: {  	s4 =	simm.s32 $0x12;
	[sflag:s19] =	ssyncadd.s32 $0xFFFFE000  }
0x23: {  	_ =	swait.ge [sflag:s4], $0x2000  }
0x24: {  	s6 =	rddreg [dreg:$0x17]  }
0x25: {  	s31 =	rddreg [dreg:$0x15];
	s6 =	sadd.s32 $0x1, s6  }
0x26: {  	p0 =	sne.s32 s6, s31  }
.Ltmp1:
0x27: {  	_ = 	snop;
	(pc) =	sbr.rel @!p0 .LBB2_21-.Ltmp1, $3  }
0x28: {  	_ =	sdelay $0x1  }
0x29: {  	[sflag:s4] =	ssyncset.done $0x0  }
0x2a: {  	[sflag:s4] =	ssyncadd.s32 $0xFFFFE000  }
.LBB2_1:
0x2b: {  	[dreg:$0x17] =	wrdreg s6  }
0x2c: {  	s2 =	rddreg [dreg:$0x5];
	s15 =	simm.s32 $0x13  }
0x2d: {  	[tilespmem:s5], [sflag:$0x13] =	stream.linear.gather [hbm4b:s2+s5], $0x80, $0x38;
	[tilespmem:$0x14080] =	vst v63  }
0x2e: {  	_ =	swait.ge [sflag:s15], $0x80  }
0x2f: {  	[sflag:s15] =	ssyncset.done $0x0  }
0x30: {  	[sflag:s15] =	ssyncadd.s32 $0xFFFFFF80  }
0x31: {  	v0 =	vld [tilespmem:$0x0];
	_ =	sdelay $0x4  }
0x32: {  	(v2sf) =	vpush v0, $0x0;
	_ =	sdelay $0xe  }
0x33: {  	s4 =	rddreg [dreg:$0x6];
	s2 =	spop (v2sf)  }
0x34: {  	s4 =	sadd.s32 s4, s2  }
0x35: {  	s4 =	sshll.u32 s4, $0x7  }
0x36: {  	s17 =	rddreg [dreg:$0x1];
	s4 =	sand.u32 $0xFFFFC00, s4  }
0x37: {  	s7 =	simm.s32 $0x80;
	s18 =	rddreg [dreg:$0x7];
	s4 =	sadd.s32 s17, s4  }
0x38: {  	[tilespmem:s7], [sflag:$0x1] =	stream.linear.gather [hbm4b:s4+s5], $0x2000, $0x38;
	[tilespmem:$0x14080] =	vst v63  }
0x39: {  	s4 =	sadd.s32 s2, s18  }
0x3a: {  	s10 =	rddreg [dreg:$0xc];
	s4 =	sshll.u32 s4, $0x7  }
0x3b: {  	s12 =	rddreg [dreg:$0xd];
	s4 =	sand.u32 $0xFFFFC00, s4  }
0x3c: {  	s19 =	simm.s32 $0x2080;
	s15 =	rddreg [dreg:$0xf];
	s4 =	sadd.s32 s17, s4  }
0x3d: {  	[tilespmem:s19], [sflag:$0x2] =	stream.linear.gather [hbm4b:s4+s5], $0x2000, $0x38;
	[tilespmem:$0x14080] =	vst v63  }
0x3e: {  	s9 =	simm.s32 $0x4080;
	s7 =	rddreg [dreg:$0x9]  }
0x3f: {  	[tilespmem:s9], [sflag:$0x3] =	stream.linear.gather [hbm4b:s7+s5], $0x2000, $0x38;
	[tilespmem:$0x14080] =	vst v63  }
0x40: {  	s11 =	simm.s32 $0x6080;
	s18 =	rddreg [dreg:$0x13]  }
0x41: {  	[tilespmem:s11], [sflag:$0x4] =	stream.linear.gather [hbm4b:s10+s5], $0x2000, $0x38;
	[tilespmem:$0x14080] =	vst v63  }
0x42: {  	s14 =	simm.s32 $0x8080;
	s31 =	sadd.s32 s2, s18;
	s19 =	rddreg [dreg:$0x14]  }
0x43: {  	[tilespmem:s14], [sflag:$0x5] =	stream.linear.gather [hbm4b:s12+s5], $0x2000, $0x38;
	[tilespmem:$0x14080] =	vst v63  }
0x44: {  	s17 =	simm.s32 $0xA080;
	s2 =	sadd.s32 s2, s19;
	s11 =	simm.s32 $0x0  }
0x45: {  	[tilespmem:s17], [sflag:$0x6] =	stream.linear.gather [hbm4b:s15+s5], $0x2000, $0x38;
	[tilespmem:$0x14080] =	vst v63  }
.LBB2_2:
0x46: {  	_ =	swait.ge [sflag:s0], $0x2000;
	p0 =	seq.s32 s11, $0x0  }
0x47: {  	s12 =	sshll.u32 s11, $0x4;
	[sflag:s0] =	ssyncset.done $0x0;
	s6 =	rddreg [dreg:$0x6]  }
0x48: {  	s4 =	simm.s32 @!p0 $0xF;
	[sflag:s0] =	ssyncadd.s32 $0xFFFFE000;
	s6 =	sor.u32 s12, s6  }
0x49: {  	_ =	swait.ge @!p0 [sflag:s4], $0x2000;
	s17 =	sshll.u32 s6, $0x7  }
0x4a: {  	[sflag:s4] =	ssyncset.done @!p0 $0x0;
	s9 =	sor.u32 $0x400, s17  }
0x4b: {  	s18 =	simm.s32 $0x0;
	[sflag:s4] =	ssyncadd.s32 @!p0 $0xFFFFE000;
	s15 =	sadd.s32 s1, s9  }
0x4c: {  	[tilespmem:s23], [sflag:$0x7] =	stream.linear.gather [hbm4b:s15+s18], $0x2000, $0x38;
	[tilespmem:$0x14080] =	vst v63  }
0x4d: {  	s19 =	sand.u32 $0x1C00, s18;
	_ =	swait.ge [sflag:s25], $0x2000  }
0x4e: {  	s23 =	sor.u32 s19, s18;
	[sflag:s25] =	ssyncset.done $0x0  }
0x4f: {  	s6 =	sor.u32 $0x70, s23;
	[sflag:s25] =	ssyncadd.s32 $0xFFFFE000  }
0x50: {  	s10 =	sand.u32 $0x380, s18;
	v0 =	vld [tilespmem:s6+$0x4080]  }
0x51: {  	s15 =	sor.u32 s10, s19;
	v1 =	vld [tilespmem:s6+$0x80]  }
0x52: {  	v2 =	vld [tilespmem:s15+$0x4080]  }
0x53: {  	v3 =	vld [tilespmem:s15+$0x80]  }
0x54: {  	v5 =	vld [tilespmem:s15+$0x4090]  }
0x55: {  	v6 =	vld [tilespmem:s15+$0x90]  }
0x56: {  	v7 =	vld [tilespmem:s15+$0x40A0]  }
0x57: {  	v8 =	vld [tilespmem:s15+$0xA0]  }
0x58: {  	v4 =	vld [tilespmem:s15+$0xB0];
	v1 =	vadd.f32 v1, v0  }
0x59: {  	v0 =	vld [tilespmem:s15+$0x40B0];
	v2 =	vadd.f32 v3, v2  }
0x5a: {  	v3 =	vadd.f32 v6, v5;
	[tilespmem:s6+$0x4080] =	vst v1;
	v1 =	vld [tilespmem:s15+$0x40C0]  }
0x5b: {  	[tilespmem:s15+$0x4080] =	vst v2;
	v2 =	vld [tilespmem:s15+$0xC0]  }
0x5c: {  	s4 =	simm.s32 $0x0;
	v5 =	vadd.f32 v8, v7;
	[tilespmem:s15+$0x4090] =	vst v3;
	v3 =	vld [tilespmem:s15+$0x40D0];
	s6 =	simm.s32 $0x400  }
.LBB2_3:
0x5d: {  	s10 =	sand.u32 $0x1C00, s6;
	v6 =	vld [tilespmem:s15+$0xD0];
	s18 =	sadd.s32 $0x10, s18  }
0x5e: {  	s4 =	sadd.s32 $0x8, s4;
	s19 =	sand.u32 $0x380, s18;
	s23 =	sor.u32 s10, s18;
	[tilespmem:s15+$0x40A0] =	vst v5;
	v0 =	vadd.f32 v4, v0;
	v4 =	vld [tilespmem:s15+$0x40E0]  }
0x5f: {  	p1 =	slt.u32 s4, $0x1F8;
	s10 =	sor.u32 s19, s10;
	s19 =	sor.u32 $0x70, s23;
	v5 =	vld [tilespmem:s15+$0xE0]  }
0x60: {  	v7 =	vld [tilespmem:s19+$0x4080];
	[tilespmem:s15+$0x40B0] =	vst v0;
	v0 =	vadd.f32 v2, v1  }
0x61: {  	v1 =	vld [tilespmem:s19+$0x80]  }
0x62: {  	v2 =	vld [tilespmem:s10+$0x4080];
	[tilespmem:s15+$0x40C0] =	vst v0;
	v0 =	vadd.f32 v6, v3  }
0x63: {  	v3 =	vld [tilespmem:s10+$0x80]  }
0x64: {  	v6 =	vld [tilespmem:s10+$0x4090];
	[tilespmem:s15+$0x40D0] =	vst v0;
	v0 =	vadd.f32 v5, v4  }
0x65: {  	v5 =	vld [tilespmem:s10+$0x90]  }
0x66: {  	v8 =	vld [tilespmem:s10+$0x40A0];
	v1 =	vadd.f32 v1, v7;
	[tilespmem:s15+$0x40E0] =	vst v0;
	s15 =	smov.u32 s10  }
0x67: {  	v7 =	vld [tilespmem:s15+$0xA0]  }
.Ltmp2:
0x68: {  	v2 =	vadd.f32 v3, v2;
	v0 =	vld [tilespmem:s15+$0x40B0];
	[tilespmem:s19+$0x4080] =	vst v1;
	(pc) =	sbr.rel @p1 .LBB2_3-.Ltmp2, $4  }
0x69: {  	v4 =	vld [tilespmem:s15+$0xB0]  }
0x6a: {  	[tilespmem:s15+$0x4080] =	vst v2;
	v3 =	vadd.f32 v5, v6;
	v1 =	vld [tilespmem:s15+$0x40C0]  }
0x6b: {  	v2 =	vld [tilespmem:s15+$0xC0]  }
0x6c: {  	s6 =	sadd.s32 $0x400, s6;
	[tilespmem:s15+$0x4090] =	vst v3;
	v5 =	vadd.f32 v7, v8;
	v3 =	vld [tilespmem:s15+$0x40D0]  }
0x6d: {  	v6 =	vld [tilespmem:s15+$0xD0];
	_ =	sdelay $0x1  }
0x6e: {  	v7 =	vld [tilespmem:s15+$0x40E0]  }
0x6f: {  	v8 =	vld [tilespmem:s15+$0xE0];
	v0 =	vadd.f32 v4, v0  }
0x70: {  	[tilespmem:s15+$0x40A0] =	vst v5;
	v1 =	vadd.f32 v2, v1  }
0x71: {  	[tilespmem:s15+$0x40B0] =	vst v0;
	v0 =	vadd.f32 v6, v3  }
0x72: {  	[tilespmem:s15+$0x40C0] =	vst v1  }
0x73: {  	[tilespmem:s15+$0x40D0] =	vst v0  }
0x74: {  	s18 =	sshll.u32 s11, $0xB;
	v1 =	vadd.f32 v8, v7;
	s4 =	rddreg [dreg:$0x8]  }
0x75: {  	s19 =	sadd.s32 s4, s18  }
0x76: {  	s6 =	simm.s32 $0x4080;
	[tilespmem:s15+$0x40E0] =	vst v1;
	s4 =	sadd.s32 s3, s19  }
0x77: {  	[hbm4b:s4+s5] =	stream.linear.scatter [tilespmem:s6], [sflag:$0xB], $0x2000, $0x38;
	[tilespmem:$0x14080] =	vst v63  }
0x78: {  	s4 =	simm.s32 @!p0 $0x10  }
0x79: {  	_ =	swait.ge @!p0 [sflag:s4], $0x2000  }
0x7a: {  	s15 =	sor.u32 $0x80400, s17;
	[sflag:s4] =	ssyncset.done @!p0 $0x0  }
0x7b: {  	s14 =	sadd.s32 s1, s15;
	[sflag:s4] =	ssyncadd.s32 @!p0 $0xFFFFE000;
	s4 =	simm.s32 $0x0  }
0x7c: {  	[tilespmem:s20], [sflag:$0x8] =	stream.linear.gather [hbm4b:s14+s4], $0x2000, $0x38;
	[tilespmem:$0x14080] =	vst v63  }
0x7d: {  	s20 =	sand.u32 $0x1C00, s4;
	_ =	swait.ge [sflag:s8], $0x2000  }
0x7e: {  	s10 =	sor.u32 s20, s4;
	[sflag:s8] =	ssyncset.done $0x0  }
0x7f: {  	s10 =	sor.u32 $0x70, s10;
	[sflag:s8] =	ssyncadd.s32 $0xFFFFE000  }
0x80: {  	s23 =	sand.u32 $0x380, s4;
	v0 =	vld [tilespmem:s10+$0x6080]  }
0x81: {  	s23 =	sor.u32 s23, s20;
	v1 =	vld [tilespmem:s10+$0x80]  }
0x82: {  	v2 =	vld [tilespmem:s23+$0x6080]  }
0x83: {  	v3 =	vld [tilespmem:s23+$0x80]  }
0x84: {  	v5 =	vld [tilespmem:s23+$0x6090]  }
0x85: {  	v6 =	vld [tilespmem:s23+$0x90]  }
0x86: {  	v7 =	vld [tilespmem:s23+$0x60A0]  }
0x87: {  	v63 =	vld [tilespmem:s23+$0xA0]  }
0x88: {  	v4 =	vld [tilespmem:s23+$0xB0];
	v1 =	vadd.f32 v1, v0  }
0x89: {  	v0 =	vld [tilespmem:s23+$0x60B0];
	v2 =	vadd.f32 v3, v2  }
0x8a: {  	v3 =	vadd.f32 v6, v5;
	[tilespmem:s10+$0x6080] =	vst v1;
	v1 =	vld [tilespmem:s23+$0x60C0]  }
0x8b: {  	[tilespmem:s23+$0x6080] =	vst v2;
	v2 =	vld [tilespmem:s23+$0xC0]  }
0x8c: {  	s6 =	simm.s32 $0x0;
	v5 =	vadd.f32 v63, v7;
	[tilespmem:s23+$0x6090] =	vst v3;
	v3 =	vld [tilespmem:s23+$0x60D0];
	s10 =	simm.s32 $0x400  }
.LBB2_5:
0x8d: {  	s14 =	sand.u32 $0x1C00, s10;
	v6 =	vld [tilespmem:s23+$0xD0];
	s4 =	sadd.s32 $0x10, s4  }
0x8e: {  	s6 =	sadd.s32 $0x8, s6;
	s7 =	sand.u32 $0x380, s4;
	s20 =	sor.u32 s14, s4;
	[tilespmem:s23+$0x60A0] =	vst v5;
	v0 =	vadd.f32 v4, v0;
	v4 =	vld [tilespmem:s23+$0x60E0]  }
0x8f: {  	p1 =	slt.u32 s6, $0x1F8;
	s7 =	sor.u32 s7, s14;
	s14 =	sor.u32 $0x70, s20;
	v5 =	vld [tilespmem:s23+$0xE0]  }
0x90: {  	v7 =	vld [tilespmem:s14+$0x6080];
	[tilespmem:s23+$0x60B0] =	vst v0;
	v0 =	vadd.f32 v2, v1  }
0x91: {  	v1 =	vld [tilespmem:s14+$0x80]  }
0x92: {  	v2 =	vld [tilespmem:s7+$0x6080];
	[tilespmem:s23+$0x60C0] =	vst v0;
	v0 =	vadd.f32 v6, v3  }
0x93: {  	v3 =	vld [tilespmem:s7+$0x80]  }
0x94: {  	v6 =	vld [tilespmem:s7+$0x6090];
	[tilespmem:s23+$0x60D0] =	vst v0;
	v0 =	vadd.f32 v5, v4  }
0x95: {  	v5 =	vld [tilespmem:s7+$0x90]  }
0x96: {  	v8 =	vld [tilespmem:s7+$0x60A0];
	v1 =	vadd.f32 v1, v7;
	[tilespmem:s23+$0x60E0] =	vst v0;
	s23 =	smov.u32 s7  }
0x97: {  	v7 =	vld [tilespmem:s23+$0xA0]  }
.Ltmp3:
0x98: {  	v2 =	vadd.f32 v3, v2;
	v0 =	vld [tilespmem:s23+$0x60B0];
	[tilespmem:s14+$0x6080] =	vst v1;
	(pc) =	sbr.rel @p1 .LBB2_5-.Ltmp3, $4  }
0x99: {  	v4 =	vld [tilespmem:s23+$0xB0]  }
0x9a: {  	[tilespmem:s23+$0x6080] =	vst v2;
	v3 =	vadd.f32 v5, v6;
	v1 =	vld [tilespmem:s23+$0x60C0]  }
0x9b: {  	v2 =	vld [tilespmem:s23+$0xC0]  }
0x9c: {  	s10 =	sadd.s32 $0x400, s10;
	[tilespmem:s23+$0x6090] =	vst v3;
	v5 =	vadd.f32 v7, v8;
	v3 =	vld [tilespmem:s23+$0x60D0]  }
0x9d: {  	v6 =	vld [tilespmem:s23+$0xD0]  }
0x9e: {  	v7 =	vld [tilespmem:s23+$0x60E0]  }
0x9f: {  	v8 =	vld [tilespmem:s23+$0xE0];
	_ =	sdelay $0x1  }
0xa0: {  	v0 =	vadd.f32 v4, v0  }
0xa1: {  	[tilespmem:s23+$0x60A0] =	vst v5;
	v1 =	vadd.f32 v2, v1  }
0xa2: {  	[tilespmem:s23+$0x60B0] =	vst v0;
	v0 =	vadd.f32 v6, v3  }
0xa3: {  	[tilespmem:s23+$0x60C0] =	vst v1;
	v1 =	vadd.f32 v8, v7  }
0xa4: {  	[tilespmem:s23+$0x60D0] =	vst v0  }
0xa5: {  	[tilespmem:s23+$0x60E0] =	vst v1  }
0xa6: {  	s4 =	rddreg [dreg:$0x10]  }
0xa7: {  	s6 =	simm.s32 $0x6080;
	s4 =	sadd.s32 s19, s4  }
0xa8: {  	[hbm4b:s4+s5] =	stream.linear.scatter [tilespmem:s6], [sflag:$0xC], $0x2000, $0x38;
	[tilespmem:$0x14080] =	vst v63  }
0xa9: {  	s4 =	simm.s32 @!p0 $0x11  }
0xaa: {  	_ =	swait.ge @!p0 [sflag:s4], $0x2000  }
0xab: {  	s17 =	sor.u32 $0x100400, s17;
	s7 =	simm.s32 $0x10080;
	[sflag:s4] =	ssyncset.done @!p0 $0x0  }
0xac: {  	s14 =	sadd.s32 s1, s17;
	[sflag:s4] =	ssyncadd.s32 @!p0 $0xFFFFE000;
	s4 =	simm.s32 $0x0  }
0xad: {  	[tilespmem:s7], [sflag:$0x9] =	stream.linear.gather [hbm4b:s14+s4], $0x2000, $0x38;
	[tilespmem:$0x14080] =	vst v63  }
0xae: {  	s20 =	sand.u32 $0x1C00, s4;
	_ =	swait.ge [sflag:s13], $0x2000  }
0xaf: {  	s23 =	sor.u32 s20, s4;
	[sflag:s13] =	ssyncset.done $0x0  }
0xb0: {  	s7 =	sor.u32 $0x70, s23;
	[sflag:s13] =	ssyncadd.s32 $0xFFFFE000  }
0xb1: {  	s10 =	sand.u32 $0x380, s4;
	v0 =	vld [tilespmem:s7+$0x8080]  }
0xb2: {  	s23 =	sor.u32 s10, s20;
	v1 =	vld [tilespmem:s7+$0x80]  }
0xb3: {  	v2 =	vld [tilespmem:s23+$0x8080]  }
0xb4: {  	v3 =	vld [tilespmem:s23+$0x80]  }
0xb5: {  	v5 =	vld [tilespmem:s23+$0x8090]  }
0xb6: {  	v6 =	vld [tilespmem:s23+$0x90]  }
0xb7: {  	v7 =	vld [tilespmem:s23+$0x80A0]  }
0xb8: {  	v63 =	vld [tilespmem:s23+$0xA0]  }
0xb9: {  	v4 =	vld [tilespmem:s23+$0xB0];
	v1 =	vadd.f32 v1, v0  }
0xba: {  	v0 =	vld [tilespmem:s23+$0x80B0];
	v2 =	vadd.f32 v3, v2  }
0xbb: {  	v3 =	vadd.f32 v6, v5;
	[tilespmem:s7+$0x8080] =	vst v1;
	v1 =	vld [tilespmem:s23+$0x80C0]  }
0xbc: {  	[tilespmem:s23+$0x8080] =	vst v2;
	v2 =	vld [tilespmem:s23+$0xC0]  }
0xbd: {  	s6 =	simm.s32 $0x0;
	s10 =	simm.s32 $0x400;
	v5 =	vadd.f32 v63, v7;
	[tilespmem:s23+$0x8090] =	vst v3;
	v3 =	vld [tilespmem:s23+$0x80D0]  }
.LBB2_7:
0xbe: {  	s7 =	sand.u32 $0x1C00, s10;
	v6 =	vld [tilespmem:s23+$0xD0];
	s4 =	sadd.s32 $0x10, s4  }
0xbf: {  	s6 =	sadd.s32 $0x8, s6;
	s14 =	sand.u32 $0x380, s4;
	s20 =	sor.u32 s7, s4;
	[tilespmem:s23+$0x80A0] =	vst v5;
	v0 =	vadd.f32 v4, v0;
	v4 =	vld [tilespmem:s23+$0x80E0]  }
0xc0: {  	p1 =	slt.u32 s6, $0x1F8;
	s7 =	sor.u32 s14, s7;
	s14 =	sor.u32 $0x70, s20;
	v5 =	vld [tilespmem:s23+$0xE0]  }
0xc1: {  	v7 =	vld [tilespmem:s14+$0x8080];
	[tilespmem:s23+$0x80B0] =	vst v0;
	v0 =	vadd.f32 v2, v1  }
0xc2: {  	v1 =	vld [tilespmem:s14+$0x80]  }
0xc3: {  	v2 =	vld [tilespmem:s7+$0x8080];
	[tilespmem:s23+$0x80C0] =	vst v0;
	v0 =	vadd.f32 v6, v3  }
0xc4: {  	v3 =	vld [tilespmem:s7+$0x80]  }
0xc5: {  	v6 =	vld [tilespmem:s7+$0x8090];
	[tilespmem:s23+$0x80D0] =	vst v0;
	v0 =	vadd.f32 v5, v4  }
0xc6: {  	v5 =	vld [tilespmem:s7+$0x90]  }
0xc7: {  	v8 =	vld [tilespmem:s7+$0x80A0];
	v1 =	vadd.f32 v1, v7;
	[tilespmem:s23+$0x80E0] =	vst v0;
	s23 =	smov.u32 s7  }
0xc8: {  	v7 =	vld [tilespmem:s23+$0xA0]  }
.Ltmp4:
0xc9: {  	v2 =	vadd.f32 v3, v2;
	v0 =	vld [tilespmem:s23+$0x80B0];
	[tilespmem:s14+$0x8080] =	vst v1;
	(pc) =	sbr.rel @p1 .LBB2_7-.Ltmp4, $4  }
0xca: {  	v4 =	vld [tilespmem:s23+$0xB0]  }
0xcb: {  	[tilespmem:s23+$0x8080] =	vst v2;
	v3 =	vadd.f32 v5, v6;
	v1 =	vld [tilespmem:s23+$0x80C0]  }
0xcc: {  	v2 =	vld [tilespmem:s23+$0xC0]  }
0xcd: {  	s10 =	sadd.s32 $0x400, s10;
	[tilespmem:s23+$0x8090] =	vst v3;
	v5 =	vadd.f32 v7, v8;
	v3 =	vld [tilespmem:s23+$0x80D0]  }
0xce: {  	v6 =	vld [tilespmem:s23+$0xD0]  }
0xcf: {  	v7 =	vld [tilespmem:s23+$0x80E0]  }
0xd0: {  	v8 =	vld [tilespmem:s23+$0xE0];
	_ =	sdelay $0x1  }
0xd1: {  	v0 =	vadd.f32 v4, v0  }
0xd2: {  	[tilespmem:s23+$0x80A0] =	vst v5;
	v1 =	vadd.f32 v2, v1  }
0xd3: {  	[tilespmem:s23+$0x80B0] =	vst v0;
	v0 =	vadd.f32 v6, v3  }
0xd4: {  	[tilespmem:s23+$0x80C0] =	vst v1;
	v1 =	vadd.f32 v8, v7  }
0xd5: {  	[tilespmem:s23+$0x80D0] =	vst v0  }
0xd6: {  	[tilespmem:s23+$0x80E0] =	vst v1  }
0xd7: {  	s4 =	rddreg [dreg:$0x11]  }
0xd8: {  	s6 =	simm.s32 $0x8080;
	s4 =	sadd.s32 s19, s4  }
0xd9: {  	[hbm4b:s4+s5] =	stream.linear.scatter [tilespmem:s6], [sflag:$0xD], $0x2000, $0x38;
	[tilespmem:$0x14080] =	vst v63  }
0xda: {  	s4 =	simm.s32 @!p0 $0x12  }
0xdb: {  	_ =	swait.ge @!p0 [sflag:s4], $0x2000  }
0xdc: {  	s14 =	rddreg [dreg:$0x16]  }
0xdd: {  	s7 =	simm.s32 $0x12080;
	[sflag:s4] =	ssyncset.done @!p0 $0x0;
	s18 =	sadd.s32 s14, s18  }
0xde: {  	[sflag:s4] =	ssyncadd.s32 @!p0 $0xFFFFE000;
	s4 =	simm.s32 $0x0;
	s6 =	sadd.s32 s1, s18  }
0xdf: {  	[tilespmem:s7], [sflag:$0xA] =	stream.linear.gather [hbm4b:s6+s4], $0x2000, $0x38;
	[tilespmem:$0x14080] =	vst v63  }
0xe0: {  	s20 =	sand.u32 $0x1C00, s4;
	_ =	swait.ge [sflag:s16], $0x2000  }
0xe1: {  	s23 =	sor.u32 s20, s4;
	[sflag:s16] =	ssyncset.done $0x0  }
0xe2: {  	s7 =	sor.u32 $0x70, s23;
	[sflag:s16] =	ssyncadd.s32 $0xFFFFE000  }
0xe3: {  	s10 =	sand.u32 $0x380, s4;
	v0 =	vld [tilespmem:s7+$0xA080]  }
0xe4: {  	s23 =	sor.u32 s10, s20;
	v1 =	vld [tilespmem:s7+$0x80]  }
0xe5: {  	v2 =	vld [tilespmem:s23+$0xA080]  }
0xe6: {  	v3 =	vld [tilespmem:s23+$0x80]  }
0xe7: {  	v5 =	vld [tilespmem:s23+$0xA090]  }
0xe8: {  	v6 =	vld [tilespmem:s23+$0x90]  }
0xe9: {  	v7 =	vld [tilespmem:s23+$0xA0A0]  }
0xea: {  	v63 =	vld [tilespmem:s23+$0xA0]  }
0xeb: {  	v4 =	vld [tilespmem:s23+$0xB0];
	v1 =	vadd.f32 v1, v0  }
0xec: {  	v0 =	vld [tilespmem:s23+$0xA0B0];
	v2 =	vadd.f32 v3, v2  }
0xed: {  	v3 =	vadd.f32 v6, v5;
	[tilespmem:s7+$0xA080] =	vst v1;
	v1 =	vld [tilespmem:s23+$0xA0C0]  }
0xee: {  	[tilespmem:s23+$0xA080] =	vst v2;
	v2 =	vld [tilespmem:s23+$0xC0]  }
0xef: {  	s6 =	simm.s32 $0x0;
	s10 =	simm.s32 $0x400;
	v5 =	vadd.f32 v63, v7;
	[tilespmem:s23+$0xA090] =	vst v3;
	v3 =	vld [tilespmem:s23+$0xA0D0]  }
.LBB2_9:
0xf0: {  	s7 =	sand.u32 $0x1C00, s10;
	v6 =	vld [tilespmem:s23+$0xD0];
	s4 =	sadd.s32 $0x10, s4  }
0xf1: {  	s6 =	sadd.s32 $0x8, s6;
	s14 =	sand.u32 $0x380, s4;
	s20 =	sor.u32 s7, s4;
	[tilespmem:s23+$0xA0A0] =	vst v5;
	v0 =	vadd.f32 v4, v0;
	v4 =	vld [tilespmem:s23+$0xA0E0]  }
0xf2: {  	p0 =	slt.u32 s6, $0x1F8;
	s7 =	sor.u32 s14, s7;
	s14 =	sor.u32 $0x70, s20;
	v5 =	vld [tilespmem:s23+$0xE0]  }
0xf3: {  	v7 =	vld [tilespmem:s14+$0xA080];
	[tilespmem:s23+$0xA0B0] =	vst v0;
	v0 =	vadd.f32 v2, v1  }
0xf4: {  	v1 =	vld [tilespmem:s14+$0x80]  }
0xf5: {  	v2 =	vld [tilespmem:s7+$0xA080];
	[tilespmem:s23+$0xA0C0] =	vst v0;
	v0 =	vadd.f32 v6, v3  }
0xf6: {  	v3 =	vld [tilespmem:s7+$0x80]  }
0xf7: {  	v6 =	vld [tilespmem:s7+$0xA090];
	[tilespmem:s23+$0xA0D0] =	vst v0;
	v0 =	vadd.f32 v5, v4  }
0xf8: {  	v5 =	vld [tilespmem:s7+$0x90]  }
0xf9: {  	v8 =	vld [tilespmem:s7+$0xA0A0];
	v1 =	vadd.f32 v1, v7;
	[tilespmem:s23+$0xA0E0] =	vst v0;
	s23 =	smov.u32 s7  }
0xfa: {  	v7 =	vld [tilespmem:s23+$0xA0]  }
.Ltmp5:
0xfb: {  	v2 =	vadd.f32 v3, v2;
	v0 =	vld [tilespmem:s23+$0xA0B0];
	[tilespmem:s14+$0xA080] =	vst v1;
	(pc) =	sbr.rel @p0 .LBB2_9-.Ltmp5, $4  }
0xfc: {  	v4 =	vld [tilespmem:s23+$0xB0]  }
0xfd: {  	[tilespmem:s23+$0xA080] =	vst v2;
	v3 =	vadd.f32 v5, v6;
	v1 =	vld [tilespmem:s23+$0xA0C0]  }
0xfe: {  	v2 =	vld [tilespmem:s23+$0xC0]  }
0xff: {  	s10 =	sadd.s32 $0x400, s10;
	[tilespmem:s23+$0xA090] =	vst v3;
	v5 =	vadd.f32 v7, v8;
	v3 =	vld [tilespmem:s23+$0xA0D0]  }
0x100: {  	v6 =	vld [tilespmem:s23+$0xD0]  }
0x101: {  	v7 =	vld [tilespmem:s23+$0xA0E0]  }
0x102: {  	v8 =	vld [tilespmem:s23+$0xE0];
	_ =	sdelay $0x1  }
0x103: {  	v0 =	vadd.f32 v4, v0  }
0x104: {  	[tilespmem:s23+$0xA0A0] =	vst v5;
	v1 =	vadd.f32 v2, v1  }
0x105: {  	[tilespmem:s23+$0xA0B0] =	vst v0;
	v0 =	vadd.f32 v6, v3  }
0x106: {  	[tilespmem:s23+$0xA0C0] =	vst v1;
	v1 =	vadd.f32 v8, v7  }
0x107: {  	[tilespmem:s23+$0xA0D0] =	vst v0  }
0x108: {  	[tilespmem:s23+$0xA0E0] =	vst v1  }
0x109: {  	s4 =	rddreg [dreg:$0x12]  }
0x10a: {  	s6 =	simm.s32 $0xA080;
	p0 =	seq.s32 s11, $0x7;
	s4 =	sadd.s32 s19, s4  }
0x10b: {  	[hbm4b:s4+s5] =	stream.linear.scatter [tilespmem:s6], [sflag:$0xE], $0x2000, $0x38;
	[tilespmem:$0x14080] =	vst v63  }
0x10c: {  	s4 =	simm.s32 @p0 $0x2  }
0x10d: {  	_ =	swait.ge @p0 [sflag:s4], $0x2000  }
0x10e: {  	[sflag:s4] =	ssyncset.done @p0 $0x0  }
0x10f: {  	[sflag:s4] =	ssyncadd.s32 @p0 $0xFFFFE000;
	s4 =	simm.s32 @p0 $0xB  }
0x110: {  	_ =	swait.ge @p0 [sflag:s4], $0x2000  }
0x111: {  	s6 =	sadd.s32 @!p0 s12, s31;
	[sflag:s4] =	ssyncset.done @p0 $0x0  }
0x112: {  	s6 =	sshll.u32 @!p0 s6, $0x7;
	[sflag:s4] =	ssyncadd.s32 @p0 $0xFFFFE000  }
0x113: {  	s4 =	sand.u32 @!p0 $0xFFFFC00, s6;
	s6 =	rddreg [dreg:$0x1]  }
0x114: {  	s7 =	simm.s32 @!p0 $0x80;
	s4 =	sadd.s32 @!p0 s6, s4;
	s6 =	simm.s32 @!p0 $0x0  }
0x115: {  	[tilespmem:s7], [sflag:$0x1] =	stream.linear.gather @!p0 [hbm4b:s4+s6], $0x2000, $0x38;
	[tilespmem:$0x14080] =	vst v63  }
0x116: {  	s4 =	simm.s32 @!p0 $0x2  }
0x117: {  	_ =	swait.ge @!p0 [sflag:s4], $0x2000  }
0x118: {  	[sflag:s4] =	ssyncset.done @!p0 $0x0  }
0x119: {  	[sflag:s4] =	ssyncadd.s32 @!p0 $0xFFFFE000;
	s4 =	simm.s32 @!p0 $0xB  }
0x11a: {  	_ =	swait.ge @!p0 [sflag:s4], $0x2000  }
0x11b: {  	s7 =	rddreg [dreg:$0x13]  }
0x11c: {  	s7 =	sadd.s32 @!p0 s12, s7  }
0x11d: {  	[sflag:s4] =	ssyncset.done @!p0 $0x0;
	s19 =	sshll.u32 @!p0 s7, $0x7  }
0x11e: {  	[sflag:s4] =	ssyncadd.s32 @!p0 $0xFFFFE000;
	s7 =	simm.s32 @!p0 $0x4080;
	s4 =	sadd.s32 @!p0 s1, s19  }
0x11f: {  	[tilespmem:s7], [sflag:$0x3] =	stream.linear.gather @!p0 [hbm4b:s4+s6], $0x2000, $0x38;
	[tilespmem:$0x14080] =	vst v63  }
0x120: {  	s4 =	simm.s32 $0x0  }
0x121: {  	_ =	swait.ge [sflag:s21], $0x2000;
	s20 =	sand.u32 $0x1C00, s4  }
0x122: {  	[sflag:s21] =	ssyncset.done $0x0;
	s23 =	sor.u32 s20, s4  }
0x123: {  	[sflag:s21] =	ssyncadd.s32 $0xFFFFE000;
	s7 =	sor.u32 $0x70, s23  }
0x124: {  	s10 =	sand.u32 $0x380, s4;
	v0 =	vld [tilespmem:s7+$0xC080]  }
0x125: {  	s23 =	sor.u32 s10, s20;
	v1 =	vld [tilespmem:s7+$0x2080]  }
0x126: {  	v2 =	vld [tilespmem:s23+$0xC080]  }
0x127: {  	v3 =	vld [tilespmem:s23+$0x2080]  }
0x128: {  	v5 =	vld [tilespmem:s23+$0xC090]  }
0x129: {  	v6 =	vld [tilespmem:s23+$0x2090]  }
0x12a: {  	v7 =	vld [tilespmem:s23+$0xC0A0]  }
0x12b: {  	v63 =	vld [tilespmem:s23+$0x20A0]  }
0x12c: {  	v4 =	vld [tilespmem:s23+$0x20B0];
	v1 =	vadd.f32 v1, v0  }
0x12d: {  	v0 =	vld [tilespmem:s23+$0xC0B0];
	v2 =	vadd.f32 v3, v2  }
0x12e: {  	v3 =	vadd.f32 v6, v5;
	[tilespmem:s7+$0xC080] =	vst v1;
	v1 =	vld [tilespmem:s23+$0xC0C0]  }
0x12f: {  	[tilespmem:s23+$0xC080] =	vst v2;
	v2 =	vld [tilespmem:s23+$0x20C0]  }
0x130: {  	s6 =	simm.s32 $0x0;
	s10 =	simm.s32 $0x400;
	v5 =	vadd.f32 v63, v7;
	[tilespmem:s23+$0xC090] =	vst v3;
	v3 =	vld [tilespmem:s23+$0xC0D0]  }
.LBB2_11:
0x131: {  	s7 =	sand.u32 $0x1C00, s10;
	v6 =	vld [tilespmem:s23+$0x20D0];
	s4 =	sadd.s32 $0x10, s4  }
0x132: {  	s6 =	sadd.s32 $0x8, s6;
	s14 =	sand.u32 $0x380, s4;
	s20 =	sor.u32 s7, s4;
	[tilespmem:s23+$0xC0A0] =	vst v5;
	v0 =	vadd.f32 v4, v0;
	v4 =	vld [tilespmem:s23+$0xC0E0]  }
0x133: {  	p1 =	slt.u32 s6, $0x1F8;
	s7 =	sor.u32 s14, s7;
	s14 =	sor.u32 $0x70, s20;
	v5 =	vld [tilespmem:s23+$0x20E0]  }
0x134: {  	v7 =	vld [tilespmem:s14+$0xC080];
	[tilespmem:s23+$0xC0B0] =	vst v0;
	v0 =	vadd.f32 v2, v1  }
0x135: {  	v1 =	vld [tilespmem:s14+$0x2080]  }
0x136: {  	v2 =	vld [tilespmem:s7+$0xC080];
	[tilespmem:s23+$0xC0C0] =	vst v0;
	v0 =	vadd.f32 v6, v3  }
0x137: {  	v3 =	vld [tilespmem:s7+$0x2080]  }
0x138: {  	v6 =	vld [tilespmem:s7+$0xC090];
	[tilespmem:s23+$0xC0D0] =	vst v0;
	v0 =	vadd.f32 v5, v4  }
0x139: {  	v5 =	vld [tilespmem:s7+$0x2090]  }
0x13a: {  	v8 =	vld [tilespmem:s7+$0xC0A0];
	v1 =	vadd.f32 v1, v7;
	[tilespmem:s23+$0xC0E0] =	vst v0;
	s23 =	smov.u32 s7  }
0x13b: {  	v7 =	vld [tilespmem:s23+$0x20A0]  }
.Ltmp6:
0x13c: {  	v2 =	vadd.f32 v3, v2;
	v0 =	vld [tilespmem:s23+$0xC0B0];
	[tilespmem:s14+$0xC080] =	vst v1;
	(pc) =	sbr.rel @p1 .LBB2_11-.Ltmp6, $4  }
0x13d: {  	v4 =	vld [tilespmem:s23+$0x20B0]  }
0x13e: {  	[tilespmem:s23+$0xC080] =	vst v2;
	v3 =	vadd.f32 v5, v6;
	v1 =	vld [tilespmem:s23+$0xC0C0]  }
0x13f: {  	v2 =	vld [tilespmem:s23+$0x20C0]  }
0x140: {  	s10 =	sadd.s32 $0x400, s10;
	[tilespmem:s23+$0xC090] =	vst v3;
	v5 =	vadd.f32 v7, v8;
	v3 =	vld [tilespmem:s23+$0xC0D0]  }
0x141: {  	v6 =	vld [tilespmem:s23+$0x20D0]  }
0x142: {  	v7 =	vld [tilespmem:s23+$0xC0E0]  }
0x143: {  	v8 =	vld [tilespmem:s23+$0x20E0];
	_ =	sdelay $0x1  }
0x144: {  	v0 =	vadd.f32 v4, v0  }
0x145: {  	[tilespmem:s23+$0xC0A0] =	vst v5;
	v1 =	vadd.f32 v2, v1  }
0x146: {  	[tilespmem:s23+$0xC0B0] =	vst v0;
	v0 =	vadd.f32 v6, v3  }
0x147: {  	[tilespmem:s23+$0xC0C0] =	vst v1;
	v1 =	vadd.f32 v8, v7  }
0x148: {  	[tilespmem:s23+$0xC0D0] =	vst v0  }
0x149: {  	s4 =	sadd.s32 s3, s9;
	[tilespmem:s23+$0xC0E0] =	vst v1;
	s23 =	simm.s32 $0xC080  }
0x14a: {  	[hbm4b:s4+s5] =	stream.linear.scatter [tilespmem:s23], [sflag:$0xF], $0x2000, $0x38;
	[tilespmem:$0x14080] =	vst v63  }
0x14b: {  	_ =	swait.ge [sflag:s22], $0x2000  }
0x14c: {  	s6 =	simm.s32 @!p0 $0x0;
	[sflag:s22] =	ssyncset.done $0x0;
	s4 =	rddreg [dreg:$0xa]  }
0x14d: {  	s7 =	simm.s32 @!p0 $0x6080;
	[sflag:s22] =	ssyncadd.s32 $0xFFFFE000;
	s4 =	sadd.s32 @!p0 s19, s4  }
0x14e: {  	[tilespmem:s7], [sflag:$0x4] =	stream.linear.gather @!p0 [hbm4b:s4+s6], $0x2000, $0x38;
	[tilespmem:$0x14080] =	vst v63  }
0x14f: {  	s4 =	simm.s32 $0x0  }
0x150: {  	_ =	swait.ge [sflag:s24], $0x2000;
	s10 =	sand.u32 $0x1C00, s4  }
0x151: {  	[sflag:s24] =	ssyncset.done $0x0;
	s14 =	sor.u32 s10, s4  }
0x152: {  	[sflag:s24] =	ssyncadd.s32 $0xFFFFE000;
	s7 =	sor.u32 $0x70, s14  }
0x153: {  	s20 =	sand.u32 $0x380, s4;
	v0 =	vld [tilespmem:s7+$0xE080]  }
0x154: {  	s9 =	sor.u32 s20, s10;
	v1 =	vld [tilespmem:s7+$0x2080]  }
0x155: {  	v2 =	vld [tilespmem:s9+$0xE080]  }
0x156: {  	v3 =	vld [tilespmem:s9+$0x2080]  }
0x157: {  	v5 =	vld [tilespmem:s9+$0xE090]  }
0x158: {  	v6 =	vld [tilespmem:s9+$0x2090]  }
0x159: {  	v7 =	vld [tilespmem:s9+$0xE0A0]  }
0x15a: {  	v63 =	vld [tilespmem:s9+$0x20A0]  }
0x15b: {  	v4 =	vld [tilespmem:s9+$0x20B0];
	v1 =	vadd.f32 v1, v0  }
0x15c: {  	v0 =	vld [tilespmem:s9+$0xE0B0];
	v2 =	vadd.f32 v3, v2  }
0x15d: {  	v3 =	vadd.f32 v6, v5;
	[tilespmem:s7+$0xE080] =	vst v1;
	v1 =	vld [tilespmem:s9+$0xE0C0]  }
0x15e: {  	[tilespmem:s9+$0xE080] =	vst v2;
	v2 =	vld [tilespmem:s9+$0x20C0]  }
0x15f: {  	s6 =	simm.s32 $0x0;
	s10 =	simm.s32 $0x400;
	v5 =	vadd.f32 v63, v7;
	[tilespmem:s9+$0xE090] =	vst v3;
	v3 =	vld [tilespmem:s9+$0xE0D0]  }
.LBB2_13:
0x160: {  	s7 =	sand.u32 $0x1C00, s10;
	v6 =	vld [tilespmem:s9+$0x20D0];
	s4 =	sadd.s32 $0x10, s4  }
0x161: {  	s6 =	sadd.s32 $0x8, s6;
	s14 =	sand.u32 $0x380, s4;
	s20 =	sor.u32 s7, s4;
	[tilespmem:s9+$0xE0A0] =	vst v5;
	v0 =	vadd.f32 v4, v0;
	v4 =	vld [tilespmem:s9+$0xE0E0]  }
0x162: {  	p1 =	slt.u32 s6, $0x1F8;
	s7 =	sor.u32 s14, s7;
	s14 =	sor.u32 $0x70, s20;
	v5 =	vld [tilespmem:s9+$0x20E0]  }
0x163: {  	v7 =	vld [tilespmem:s14+$0xE080];
	[tilespmem:s9+$0xE0B0] =	vst v0;
	v0 =	vadd.f32 v2, v1  }
0x164: {  	v1 =	vld [tilespmem:s14+$0x2080]  }
0x165: {  	v2 =	vld [tilespmem:s7+$0xE080];
	[tilespmem:s9+$0xE0C0] =	vst v0;
	v0 =	vadd.f32 v6, v3  }
0x166: {  	v3 =	vld [tilespmem:s7+$0x2080]  }
0x167: {  	v6 =	vld [tilespmem:s7+$0xE090];
	[tilespmem:s9+$0xE0D0] =	vst v0;
	v0 =	vadd.f32 v5, v4  }
0x168: {  	v5 =	vld [tilespmem:s7+$0x2090]  }
0x169: {  	v8 =	vld [tilespmem:s7+$0xE0A0];
	v1 =	vadd.f32 v1, v7;
	[tilespmem:s9+$0xE0E0] =	vst v0;
	s9 =	smov.u32 s7  }
0x16a: {  	v7 =	vld [tilespmem:s9+$0x20A0]  }
.Ltmp7:
0x16b: {  	v2 =	vadd.f32 v3, v2;
	v0 =	vld [tilespmem:s9+$0xE0B0];
	[tilespmem:s14+$0xE080] =	vst v1;
	(pc) =	sbr.rel @p1 .LBB2_13-.Ltmp7, $4  }
0x16c: {  	v4 =	vld [tilespmem:s9+$0x20B0]  }
0x16d: {  	[tilespmem:s9+$0xE080] =	vst v2;
	v3 =	vadd.f32 v5, v6;
	v1 =	vld [tilespmem:s9+$0xE0C0]  }
0x16e: {  	v2 =	vld [tilespmem:s9+$0x20C0]  }
0x16f: {  	s10 =	sadd.s32 $0x400, s10;
	[tilespmem:s9+$0xE090] =	vst v3;
	v5 =	vadd.f32 v7, v8;
	v3 =	vld [tilespmem:s9+$0xE0D0]  }
0x170: {  	v6 =	vld [tilespmem:s9+$0x20D0]  }
0x171: {  	v7 =	vld [tilespmem:s9+$0xE0E0]  }
0x172: {  	v8 =	vld [tilespmem:s9+$0x20E0];
	_ =	sdelay $0x1  }
0x173: {  	v0 =	vadd.f32 v4, v0  }
0x174: {  	[tilespmem:s9+$0xE0A0] =	vst v5;
	v1 =	vadd.f32 v2, v1  }
0x175: {  	[tilespmem:s9+$0xE0B0] =	vst v0;
	v0 =	vadd.f32 v6, v3  }
0x176: {  	[tilespmem:s9+$0xE0C0] =	vst v1;
	v1 =	vadd.f32 v8, v7  }
0x177: {  	[tilespmem:s9+$0xE0D0] =	vst v0  }
0x178: {  	s4 =	sadd.s32 s3, s15;
	s20 =	simm.s32 $0xE080;
	[tilespmem:s9+$0xE0E0] =	vst v1  }
0x179: {  	[hbm4b:s4+s5] =	stream.linear.scatter [tilespmem:s20], [sflag:$0x10], $0x2000, $0x38;
	[tilespmem:$0x14080] =	vst v63  }
0x17a: {  	_ =	swait.ge [sflag:s26], $0x2000  }
0x17b: {  	s6 =	simm.s32 @!p0 $0x0;
	[sflag:s26] =	ssyncset.done $0x0;
	s4 =	rddreg [dreg:$0xb]  }
0x17c: {  	s7 =	simm.s32 @!p0 $0x8080;
	[sflag:s26] =	ssyncadd.s32 $0xFFFFE000;
	s4 =	sadd.s32 @!p0 s19, s4  }
0x17d: {  	[tilespmem:s7], [sflag:$0x5] =	stream.linear.gather @!p0 [hbm4b:s4+s6], $0x2000, $0x38;
	[tilespmem:$0x14080] =	vst v63  }
0x17e: {  	s4 =	simm.s32 $0x0  }
0x17f: {  	_ =	swait.ge [sflag:s28], $0x2000;
	s10 =	sand.u32 $0x1C00, s4  }
0x180: {  	[sflag:s28] =	ssyncset.done $0x0;
	s14 =	sor.u32 s10, s4  }
0x181: {  	[sflag:s28] =	ssyncadd.s32 $0xFFFFE000;
	s7 =	sor.u32 $0x70, s14  }
0x182: {  	s15 =	sand.u32 $0x380, s4;
	v0 =	vld [tilespmem:s7+$0x10080]  }
0x183: {  	s9 =	sor.u32 s15, s10;
	v1 =	vld [tilespmem:s7+$0x2080]  }
0x184: {  	v2 =	vld [tilespmem:s9+$0x10080]  }
0x185: {  	v3 =	vld [tilespmem:s9+$0x2080]  }
0x186: {  	v5 =	vld [tilespmem:s9+$0x10090]  }
0x187: {  	v6 =	vld [tilespmem:s9+$0x2090]  }
0x188: {  	v7 =	vld [tilespmem:s9+$0x100A0]  }
0x189: {  	v63 =	vld [tilespmem:s9+$0x20A0]  }
0x18a: {  	v4 =	vld [tilespmem:s9+$0x20B0];
	v1 =	vadd.f32 v1, v0  }
0x18b: {  	v0 =	vld [tilespmem:s9+$0x100B0];
	v2 =	vadd.f32 v3, v2  }
0x18c: {  	v3 =	vadd.f32 v6, v5;
	[tilespmem:s7+$0x10080] =	vst v1;
	v1 =	vld [tilespmem:s9+$0x100C0]  }
0x18d: {  	[tilespmem:s9+$0x10080] =	vst v2;
	v2 =	vld [tilespmem:s9+$0x20C0]  }
0x18e: {  	s6 =	simm.s32 $0x0;
	s10 =	simm.s32 $0x400;
	v5 =	vadd.f32 v63, v7;
	[tilespmem:s9+$0x10090] =	vst v3;
	v3 =	vld [tilespmem:s9+$0x100D0]  }
.LBB2_15:
0x18f: {  	s7 =	sand.u32 $0x1C00, s10;
	v6 =	vld [tilespmem:s9+$0x20D0];
	s4 =	sadd.s32 $0x10, s4  }
0x190: {  	s6 =	sadd.s32 $0x8, s6;
	s14 =	sand.u32 $0x380, s4;
	s15 =	sor.u32 s7, s4;
	[tilespmem:s9+$0x100A0] =	vst v5;
	v0 =	vadd.f32 v4, v0;
	v4 =	vld [tilespmem:s9+$0x100E0]  }
0x191: {  	p1 =	slt.u32 s6, $0x1F8;
	s7 =	sor.u32 s14, s7;
	s14 =	sor.u32 $0x70, s15;
	v5 =	vld [tilespmem:s9+$0x20E0]  }
0x192: {  	v7 =	vld [tilespmem:s14+$0x10080];
	[tilespmem:s9+$0x100B0] =	vst v0;
	v0 =	vadd.f32 v2, v1  }
0x193: {  	v1 =	vld [tilespmem:s14+$0x2080]  }
0x194: {  	v2 =	vld [tilespmem:s7+$0x10080];
	[tilespmem:s9+$0x100C0] =	vst v0;
	v0 =	vadd.f32 v6, v3  }
0x195: {  	v3 =	vld [tilespmem:s7+$0x2080]  }
0x196: {  	v6 =	vld [tilespmem:s7+$0x10090];
	[tilespmem:s9+$0x100D0] =	vst v0;
	v0 =	vadd.f32 v5, v4  }
0x197: {  	v5 =	vld [tilespmem:s7+$0x2090]  }
0x198: {  	v8 =	vld [tilespmem:s7+$0x100A0];
	v1 =	vadd.f32 v1, v7;
	[tilespmem:s9+$0x100E0] =	vst v0;
	s9 =	smov.u32 s7  }
0x199: {  	v7 =	vld [tilespmem:s9+$0x20A0]  }
.Ltmp8:
0x19a: {  	v2 =	vadd.f32 v3, v2;
	v0 =	vld [tilespmem:s9+$0x100B0];
	[tilespmem:s14+$0x10080] =	vst v1;
	(pc) =	sbr.rel @p1 .LBB2_15-.Ltmp8, $4  }
0x19b: {  	v4 =	vld [tilespmem:s9+$0x20B0]  }
0x19c: {  	[tilespmem:s9+$0x10080] =	vst v2;
	v3 =	vadd.f32 v5, v6;
	v1 =	vld [tilespmem:s9+$0x100C0]  }
0x19d: {  	v2 =	vld [tilespmem:s9+$0x20C0]  }
0x19e: {  	s10 =	sadd.s32 $0x400, s10;
	[tilespmem:s9+$0x10090] =	vst v3;
	v5 =	vadd.f32 v7, v8;
	v3 =	vld [tilespmem:s9+$0x100D0]  }
0x19f: {  	v6 =	vld [tilespmem:s9+$0x20D0]  }
0x1a0: {  	v7 =	vld [tilespmem:s9+$0x100E0]  }
0x1a1: {  	v8 =	vld [tilespmem:s9+$0x20E0];
	_ =	sdelay $0x1  }
0x1a2: {  	v0 =	vadd.f32 v4, v0  }
0x1a3: {  	[tilespmem:s9+$0x100A0] =	vst v5;
	v1 =	vadd.f32 v2, v1  }
0x1a4: {  	[tilespmem:s9+$0x100B0] =	vst v0;
	v0 =	vadd.f32 v6, v3  }
0x1a5: {  	[tilespmem:s9+$0x100C0] =	vst v1;
	v1 =	vadd.f32 v8, v7  }
0x1a6: {  	[tilespmem:s9+$0x100D0] =	vst v0  }
0x1a7: {  	s4 =	sadd.s32 s3, s17;
	s6 =	simm.s32 $0x10080;
	[tilespmem:s9+$0x100E0] =	vst v1  }
0x1a8: {  	[hbm4b:s4+s5] =	stream.linear.scatter [tilespmem:s6], [sflag:$0x11], $0x2000, $0x38;
	[tilespmem:$0x14080] =	vst v63  }
0x1a9: {  	_ =	swait.ge [sflag:s29], $0x2000  }
0x1aa: {  	s7 =	simm.s32 @!p0 $0xA080;
	[sflag:s29] =	ssyncset.done $0x0;
	s4 =	rddreg [dreg:$0xe]  }
0x1ab: {  	s6 =	simm.s32 @!p0 $0x0;
	[sflag:s29] =	ssyncadd.s32 $0xFFFFE000;
	s4 =	sadd.s32 @!p0 s19, s4  }
0x1ac: {  	[tilespmem:s7], [sflag:$0x6] =	stream.linear.gather @!p0 [hbm4b:s4+s6], $0x2000, $0x38;
	[tilespmem:$0x14080] =	vst v63  }
0x1ad: {  	s4 =	simm.s32 $0x0  }
0x1ae: {  	_ =	swait.ge [sflag:s30], $0x2000;
	s15 =	sand.u32 $0x1C00, s4  }
0x1af: {  	[sflag:s30] =	ssyncset.done $0x0;
	s17 =	sor.u32 s15, s4  }
0x1b0: {  	[sflag:s30] =	ssyncadd.s32 $0xFFFFE000;
	s7 =	sor.u32 $0x70, s17  }
0x1b1: {  	s19 =	sand.u32 $0x380, s4;
	v0 =	vld [tilespmem:s7+$0x12080]  }
0x1b2: {  	s9 =	sor.u32 s19, s15;
	v1 =	vld [tilespmem:s7+$0x2080]  }
0x1b3: {  	v2 =	vld [tilespmem:s9+$0x12080]  }
0x1b4: {  	v3 =	vld [tilespmem:s9+$0x2080]  }
0x1b5: {  	v5 =	vld [tilespmem:s9+$0x12090]  }
0x1b6: {  	v6 =	vld [tilespmem:s9+$0x2090]  }
0x1b7: {  	v7 =	vld [tilespmem:s9+$0x120A0]  }
0x1b8: {  	v63 =	vld [tilespmem:s9+$0x20A0]  }
0x1b9: {  	v4 =	vld [tilespmem:s9+$0x20B0];
	v1 =	vadd.f32 v1, v0  }
0x1ba: {  	v0 =	vld [tilespmem:s9+$0x120B0];
	v2 =	vadd.f32 v3, v2  }
0x1bb: {  	v3 =	vadd.f32 v6, v5;
	[tilespmem:s7+$0x12080] =	vst v1;
	v1 =	vld [tilespmem:s9+$0x120C0]  }
0x1bc: {  	[tilespmem:s9+$0x12080] =	vst v2;
	v2 =	vld [tilespmem:s9+$0x20C0]  }
0x1bd: {  	s10 =	simm.s32 $0x400;
	s6 =	simm.s32 $0x0;
	v5 =	vadd.f32 v63, v7;
	[tilespmem:s9+$0x12090] =	vst v3;
	v3 =	vld [tilespmem:s9+$0x120D0]  }
.LBB2_17:
0x1be: {  	s7 =	sand.u32 $0x1C00, s10;
	v6 =	vld [tilespmem:s9+$0x20D0];
	s4 =	sadd.s32 $0x10, s4  }
0x1bf: {  	s6 =	sadd.s32 $0x8, s6;
	s14 =	sand.u32 $0x380, s4;
	s15 =	sor.u32 s7, s4;
	[tilespmem:s9+$0x120A0] =	vst v5;
	v0 =	vadd.f32 v4, v0;
	v4 =	vld [tilespmem:s9+$0x120E0]  }
0x1c0: {  	p1 =	slt.u32 s6, $0x1F8;
	s7 =	sor.u32 s14, s7;
	s14 =	sor.u32 $0x70, s15;
	v5 =	vld [tilespmem:s9+$0x20E0]  }
0x1c1: {  	v7 =	vld [tilespmem:s14+$0x12080];
	[tilespmem:s9+$0x120B0] =	vst v0;
	v0 =	vadd.f32 v2, v1  }
0x1c2: {  	v1 =	vld [tilespmem:s14+$0x2080]  }
0x1c3: {  	v2 =	vld [tilespmem:s7+$0x12080];
	[tilespmem:s9+$0x120C0] =	vst v0;
	v0 =	vadd.f32 v6, v3  }
0x1c4: {  	v3 =	vld [tilespmem:s7+$0x2080]  }
0x1c5: {  	v6 =	vld [tilespmem:s7+$0x12090];
	[tilespmem:s9+$0x120D0] =	vst v0;
	v0 =	vadd.f32 v5, v4  }
0x1c6: {  	v5 =	vld [tilespmem:s7+$0x2090]  }
0x1c7: {  	v8 =	vld [tilespmem:s7+$0x120A0];
	v1 =	vadd.f32 v1, v7;
	[tilespmem:s9+$0x120E0] =	vst v0;
	s9 =	smov.u32 s7  }
0x1c8: {  	v7 =	vld [tilespmem:s9+$0x20A0]  }
.Ltmp9:
0x1c9: {  	v2 =	vadd.f32 v3, v2;
	v0 =	vld [tilespmem:s9+$0x120B0];
	[tilespmem:s14+$0x12080] =	vst v1;
	(pc) =	sbr.rel @p1 .LBB2_17-.Ltmp9, $4  }
0x1ca: {  	v4 =	vld [tilespmem:s9+$0x20B0]  }
0x1cb: {  	[tilespmem:s9+$0x12080] =	vst v2;
	v3 =	vadd.f32 v5, v6;
	v1 =	vld [tilespmem:s9+$0x120C0]  }
0x1cc: {  	v2 =	vld [tilespmem:s9+$0x20C0]  }
0x1cd: {  	s10 =	sadd.s32 $0x400, s10;
	[tilespmem:s9+$0x12090] =	vst v3;
	v5 =	vadd.f32 v7, v8;
	v3 =	vld [tilespmem:s9+$0x120D0]  }
0x1ce: {  	v6 =	vld [tilespmem:s9+$0x20D0]  }
0x1cf: {  	v7 =	vld [tilespmem:s9+$0x120E0]  }
0x1d0: {  	v8 =	vld [tilespmem:s9+$0x20E0];
	_ =	sdelay $0x1  }
0x1d1: {  	v0 =	vadd.f32 v4, v0  }
0x1d2: {  	[tilespmem:s9+$0x120A0] =	vst v5;
	v1 =	vadd.f32 v2, v1  }
.Ltmp10:
0x1d3: {  	[tilespmem:s9+$0x120B0] =	vst v0;
	v62 =	vadd.f32 v6, v3;
	(pc) =	sbr.rel @p0 .LBB2_20-.Ltmp10, $4  }
0x1d4: {  	[tilespmem:s9+$0x120C0] =	vst v1;
	v63 =	vadd.f32 v8, v7  }
0x1d5: {  	[tilespmem:s9+$0x120D0] =	vst v62  }
0x1d6: {  	s4 =	sadd.s32 s3, s18;
	s6 =	simm.s32 $0x12080;
	[tilespmem:s9+$0x120E0] =	vst v63  }
0x1d7: {  	[hbm4b:s4+s5] =	stream.linear.scatter [tilespmem:s6], [sflag:$0x12], $0x2000, $0x38;
	[tilespmem:$0x14080] =	vst v63  }
.Ltmp11:
0x1d8: {  	s4 =	sadd.s32 s12, s2;
	(pc) =	sbr.rel .LBB2_2-.Ltmp11, $4  }
0x1d9: {  	s4 =	sshll.u32 s4, $0x7  }
0x1da: {  	s6 =	rddreg [dreg:$0x1];
	s4 =	sand.u32 $0xFFFFC00, s4  }
0x1db: {  	s19 =	simm.s32 $0x2080;
	s11 =	sadd.s32 $0x1, s11;
	s4 =	sadd.s32 s6, s4  }
0x1dc: {  	[tilespmem:s19], [sflag:$0x2] =	stream.linear.gather [hbm4b:s4+s5], $0x2000, $0x38;
	[tilespmem:$0x14080] =	vst v63  }
.LBB2_21:
0x1dd: {  	_ =	sfence.sel $0x180000  }
0x1de: {  	[bflag:$0x0] =	sbarrier.arrive $0xFFFF  }
0x1df: {  	_ =	strace $0x90000047  }
0x1e0: {  	s0 =	stileid.u32;
	[bflag:$0x2] =	sbarrier.arrive $0xFFFF  }
0x1e1: {  	p0 =	sne.s32 s0, $0x0;
	s0 =	rddreg [dreg:$0x4]  }
0x1e2: {  	s0 =	sadd.s32 @!p0 $0x100000, s0  }
0x1e3: {  	[sflag:s0] =	ssyncadd.tile.s32 @!p0 $0x1;
	_ =	shalt  }
.Lfunc_end2:
_tile_overlayer_lowered:
.L_overlay_start_2:
0x1e4: {  	(tag) =	ssettag $0x2  }
0x1e5: {  	s0 =	rddreg [dreg:$0x0];
	s2 =	stileid.u32  }
0x1e6: {  	s1 =	rddreg [dreg:$0x1];
	p0 =	sne.s32 s2, $0x0  }
0x1e7: {  	s3 =	rddreg [dreg:$0x2];
	[bflag:$0x3] =	sbarrier.arrive $0xFFFF;
	s2 =	simm.s32 @!p0 $0x1C13  }
0x1e8: {  	[timem:s3], [sflag:s2] =	dma.local @!p0 [hbm:s0], s1  }
0x1e9: {  	s0 =	simm.s32 @!p0 $0x13  }
0x1ea: {  	_ =	swait.ge @!p0 [sflag:s0], s1  }
0x1eb: {  	s1 =	ssub.s32 @!p0 $0x0, s1;
	[sflag:s0] =	ssyncset.done @!p0 $0x0  }
0x1ec: {  	[sflag:s0] =	ssyncadd.s32 @!p0 s1  }
0x1ed: {  	[bflag:$0x3] =	sbarrier.arrive $0xFFFF  }
0x1ee: {  	_ =	shalt  }

</sc_bundles>
